<compile_context>
chip_gen: v7x
topology: tpu7x:2x2x1
jax: 0.10.2.dev20260603
libtpu: 0.0.44.dev20260713+nightly
codegen_flags: <defaults>
</compile_context>

<pallas_src>
import functools

import jax
import jax.numpy as jnp
from jax import lax
from jax.experimental import pallas as pl
from jax.experimental.pallas import tpu as pltpu
from jax.experimental.pallas import tpu_sc as plsc

N = 10000
E = 320000
IN_F = 128
H_F = 256
C_F = 64

NC = 2
NS = 16
NW = NC * NS
E_TILE = E // NW
CHUNK = 100
NCHUNK = E_TILE // CHUNK
N_PAD = 10240
N_TILE = N_PAD // NS

_MESH = plsc.VectorSubcoreMesh(
    core_axis_name="c", subcore_axis_name="s", num_cores=NC, num_subcores=NS
)


def _make_deg():
  @functools.partial(
      pl.kernel,
      out_type=jax.ShapeDtypeStruct((NC, N_PAD, 16), jnp.float32),
      mesh=_MESH,
      compiler_params=pltpu.CompilerParams(use_tc_tiling_on_sc=False),
      scratch_types=[
          pltpu.VMEM_SHARED((N_PAD, 16), jnp.float32),
          pltpu.VMEM((NCHUNK, CHUNK), jnp.int32),
          pltpu.VMEM((CHUNK, 16), jnp.float32),
      ],
  )
  def deg_kernel(ei_hbm, ones_hbm, zeros_hbm, out_hbm, acc, dst_v, ones_v):
    c = lax.axis_index("c")
    s = lax.axis_index("s")
    tid = c * NS + s
    pltpu.sync_copy(ei_hbm.at[1, tid], dst_v)
    pltpu.sync_copy(zeros_hbm, acc.at[pl.ds(s * N_TILE, N_TILE)])
    pltpu.sync_copy(ones_hbm, ones_v)
    plsc.subcore_barrier()

    def body(j, carry):
      pltpu.sync_copy(ones_v, acc.at[dst_v.at[j]], add=True)
      return carry

    lax.fori_loop(0, NCHUNK, body, 0)
    plsc.subcore_barrier()
    pltpu.sync_copy(
        acc.at[pl.ds(s * N_TILE, N_TILE)],
        out_hbm.at[c, pl.ds(s * N_TILE, N_TILE)],
    )

  return deg_kernel


def _make_prop(F, NBUF, dt):
  @functools.partial(
      pl.kernel,
      out_type=jax.ShapeDtypeStruct((NC, N_PAD, F), dt),
      mesh=_MESH,
      compiler_params=pltpu.CompilerParams(use_tc_tiling_on_sc=False),
      scratch_types=[
          pltpu.VMEM_SHARED((N_PAD, F), dt),
          pltpu.VMEM((NCHUNK, CHUNK), jnp.int32),
          pltpu.VMEM((NCHUNK, CHUNK), jnp.int32),
      ]
      + [pltpu.VMEM((CHUNK, F), dt) for _ in range(NBUF)]
      + [pltpu.SemaphoreType.DMA for _ in range(NBUF)],
  )
  def prop_kernel(ei_hbm, xn_hbm, zeros_hbm, out_hbm, acc, src_v, dst_v, *bufs):
    rows = bufs[:NBUF]
    sems = bufs[NBUF:]
    c = lax.axis_index("c")
    s = lax.axis_index("s")
    tid = c * NS + s
    pltpu.sync_copy(ei_hbm.at[0, tid], src_v)
    pltpu.sync_copy(ei_hbm.at[1, tid], dst_v)
    pltpu.sync_copy(zeros_hbm, acc.at[pl.ds(s * N_TILE, N_TILE)])
    plsc.subcore_barrier()

    def stage(j, b):
      pltpu.async_copy(xn_hbm.at[src_v.at[j]], rows[b], sems[b])

    def finish(j, b):
      pltpu.make_async_copy(xn_hbm.at[src_v.at[j]], rows[b], sems[b]).wait()
      pltpu.sync_copy(rows[b], acc.at[dst_v.at[j]], add=True)

    for b in range(NBUF):
      stage(b, b)

    def body(g, carry):
      base = g * NBUF
      for b in range(NBUF):
        finish(base + b, b)
        stage(base + NBUF + b, b)
      return carry

    lax.fori_loop(0, NCHUNK // NBUF - 1, body, 0)
    for b in range(NBUF):
      finish(NCHUNK - NBUF + b, b)
    plsc.subcore_barrier()
    pltpu.sync_copy(
        acc.at[pl.ds(s * N_TILE, N_TILE)],
        out_hbm.at[c, pl.ds(s * N_TILE, N_TILE)],
    )

  return prop_kernel


_deg = _make_deg()
_prop128 = _make_prop(IN_F, 2, jnp.bfloat16)
_prop64 = _make_prop(C_F, 4, jnp.bfloat16)

BR = 1000
GRID = N // BR


def _dinv_block(dacc_ref):
  i = pl.program_id(0)
  rows = pl.ds(i * BR, BR)
  d = dacc_ref[0, rows, 0:1] + dacc_ref[1, rows, 0:1] + 1.0
  return lax.rsqrt(d)


_DACC_SPEC = pl.BlockSpec((NC, N_PAD, 16), lambda i: (0, 0, 0))


def _tc_scale(dacc, x):
  def body(dacc_ref, x_ref, o_ref):
    o_ref[...] = (x_ref[...] * _dinv_block(dacc_ref)).astype(jnp.bfloat16)

  return pl.pallas_call(
      body,
      grid=(GRID,),
      in_specs=[
          _DACC_SPEC,
          pl.BlockSpec((BR, IN_F), lambda i: (i, 0)),
      ],
      out_specs=pl.BlockSpec((BR, IN_F), lambda i: (i, 0)),
      out_shape=jax.ShapeDtypeStruct((N, IN_F), jnp.bfloat16),
  )(dacc, x)


def _tc_mid(dacc, agg1, xn1, W1, b1, W2):
  def body(dacc_ref, a_ref, xn_ref, W1_ref, b1_ref, W2_ref, o_ref):
    dinv = _dinv_block(dacc_ref)
    p = (
        a_ref[0].astype(jnp.float32)
        + a_ref[1].astype(jnp.float32)
        + xn_ref[...].astype(jnp.float32)
    ) * dinv
    h = jnp.tanh(
        jnp.dot(p, W1_ref[...], preferred_element_type=jnp.float32)
        + b1_ref[...]
    )
    o_ref[...] = (
        jnp.dot(h, W2_ref[...], preferred_element_type=jnp.float32) * dinv
    ).astype(jnp.bfloat16)

  return pl.pallas_call(
      body,
      grid=(GRID,),
      in_specs=[
          _DACC_SPEC,
          pl.BlockSpec((NC, BR, IN_F), lambda i: (0, i, 0)),
          pl.BlockSpec((BR, IN_F), lambda i: (i, 0)),
          pl.BlockSpec((IN_F, H_F), lambda i: (0, 0)),
          pl.BlockSpec((1, H_F), lambda i: (0, 0)),
          pl.BlockSpec((H_F, C_F), lambda i: (0, 0)),
      ],
      out_specs=pl.BlockSpec((BR, C_F), lambda i: (i, 0)),
      out_shape=jax.ShapeDtypeStruct((N, C_F), jnp.bfloat16),
  )(dacc, agg1, xn1, W1, b1, W2)


def _tc_final(dacc, agg2, xn2, b2):
  def body(dacc_ref, a_ref, xn_ref, b2_ref, o_ref):
    dinv = _dinv_block(dacc_ref)
    o_ref[...] = (
        a_ref[0].astype(jnp.float32)
        + a_ref[1].astype(jnp.float32)
        + xn_ref[...].astype(jnp.float32)
    ) * dinv + b2_ref[...]

  return pl.pallas_call(
      body,
      grid=(GRID,),
      in_specs=[
          _DACC_SPEC,
          pl.BlockSpec((NC, BR, C_F), lambda i: (0, i, 0)),
          pl.BlockSpec((BR, C_F), lambda i: (i, 0)),
          pl.BlockSpec((1, C_F), lambda i: (0, 0)),
      ],
      out_specs=pl.BlockSpec((BR, C_F), lambda i: (i, 0)),
      out_shape=jax.ShapeDtypeStruct((N, C_F), jnp.float32),
  )(dacc, agg2, xn2, b2)


def kernel(edge_index, x, W1, b1, W2, b2):
  ei = edge_index.reshape(2, NW, NCHUNK, CHUNK)
  ones16 = jnp.ones((CHUNK, 16), jnp.float32)
  zdeg = jnp.zeros((N_TILE, 16), jnp.float32)
  z128 = jnp.zeros((N_TILE, IN_F), jnp.bfloat16)
  z64 = jnp.zeros((N_TILE, C_F), jnp.bfloat16)

  dacc = _deg(ei, ones16, zdeg)
  xn1 = _tc_scale(dacc, x)
  agg1 = _prop128(ei, xn1, z128)
  xn2 = _tc_mid(dacc, agg1, xn1, W1, b1.reshape(1, H_F), W2)
  agg2 = _prop64(ei, xn2, z64)
  return _tc_final(dacc, agg2, xn2, b2.reshape(1, C_F))

# --- scband reference (transcript-rebuilt; emitter-appended) ---
"""Pipeline reference for scband-gcn-58789512348336 (READ-ONLY COPY).

The authoritative reference and input builder live on the scoring server;
editing this copy changes nothing except your own understanding.
"""

import jax, jax.numpy as jnp
import numpy as np

N_NODES = 10000
N_EDGES = 320000
IN_FEATS = 128
H_FEATS = 256
NUM_CLASSES = 64


def gcn_conv(x, edge_index, W, b):
    n = x.shape[0]
    src = edge_index[0]
    dst = edge_index[1]
    # add self loops (PyG GCNConv default add_self_loops=True)
    loop = jnp.arange(n, dtype=src.dtype)
    src = jnp.concatenate([src, loop])
    dst = jnp.concatenate([dst, loop])
    # symmetric normalization D^{-1/2} (A+I) D^{-1/2}
    deg = jnp.zeros((n,), dtype=x.dtype).at[dst].add(1.0)
    deg_inv_sqrt = jnp.where(deg > 0, 1.0 / jnp.sqrt(deg), 0.0)
    norm = deg_inv_sqrt[src] * deg_inv_sqrt[dst]
    h = x @ W
    msg = h[src] * norm[:, None]
    out = jnp.zeros((n, W.shape[1]), dtype=x.dtype).at[dst].add(msg)
    return out + b


def setup_inputs(seed: int = 0) -> dict:
    key = jax.random.key(seed)
    k1, k2, k3, k4, k5, k6 = jax.random.split(key, 6)
    edge_index = jax.random.randint(k1, (2, N_EDGES), 0, N_NODES, dtype=jnp.int64) if jax.config.jax_enable_x64 else jax.random.randint(k1, (2, N_EDGES), 0, N_NODES).astype(jnp.int32)
    x = jax.random.normal(k2, (N_NODES, IN_FEATS), dtype=jnp.float32)
    W1 = jax.random.normal(k3, (IN_FEATS, H_FEATS), dtype=jnp.float32) * (1.0 / np.sqrt(IN_FEATS))
    b1 = jnp.zeros((H_FEATS,), dtype=jnp.float32)
    W2 = jax.random.normal(k4, (H_FEATS, NUM_CLASSES), dtype=jnp.float32) * (1.0 / np.sqrt(H_FEATS))
    b2 = jnp.zeros((NUM_CLASSES,), dtype=jnp.float32)
    return {"edge_index": edge_index, "x": x, "W1": W1, "b1": b1, "W2": W2, "b2": b2}


def reference(edge_index, x, W1, b1, W2, b2):
    h = gcn_conv(x, edge_index, W1, b1)
    h = jnp.tanh(h)
    out = gcn_conv(h, edge_index, W2, b2)
    return out

if __name__ == "__main__":
    import jax
    _d = setup_inputs()
    print(jax.jit(kernel)(*tuple(_d.values())))

</pallas_src>

<mosaic_0001>
#map = affine_map<(d0, d1) -> (0, 0, 0, 0)>
#map1 = affine_map<(d0, d1) -> (0, 0)>
#map2 = affine_map<(d0, d1) -> (0, 0, 0)>
module attributes {stable_mosaic.version = 14 : i64} {
  func.func @deg_kernel(%arg0: i32, %arg1: i32, %arg2: memref<2x32x100x100xi32, #tpu.memory_space<hbm>>, %arg3: memref<100x16xf32, #tpu.memory_space<hbm>>, %arg4: memref<640x16xf32, #tpu.memory_space<hbm>>, %arg5: memref<2x10240x16xf32, #tpu.memory_space<hbm>>, %arg6: memref<10240x16xf32, #tpu.memory_space<vmem_shared>>, %arg7: memref<100x100xi32, #tpu.memory_space<vmem>>, %arg8: memref<100x16xf32, #tpu.memory_space<vmem>>) attributes {dimension_semantics = [#tpu.dimension_semantics<core_parallel>, #tpu.dimension_semantics<subcore_parallel>], iteration_bounds = array<i64: 2, 16>, scalar_prefetch = 0 : i64, scratch_operands = 3 : i64, tpu.core_type = #tpu.core_type<sc_vector_subcore>, window_params = [{transform_indices = #map}, {transform_indices = #map1}, {transform_indices = #map1}, {transform_indices = #map2}]} {
    %mul3A = arith.constant 16 : i32
    %mul3A_0 = arith.muli %arg0, %mul3A : i32
    %add3A = arith.addi %mul3A_0, %arg1 : i32
    %run_scoped3A = arith.constant 1 : i32
    "tpu.region"() ({
      %run_scoped3A_13 = tpu.sem_alloc : memref<!tpu.dma_semaphore, #tpu.memory_space<semaphore_mem>>
      %dma_start3A = arith.constant 0 : i32
      %dma_start3A_14 = arith.constant 0 : i32
      %dma_start3A_15 = tpu.memref_slice %arg2[%run_scoped3A, %add3A, %dma_start3A, %dma_start3A_14] : memref<2x32x100x100xi32, #tpu.memory_space<hbm>> -> memref<1x1x100x100xi32, #tpu.memory_space<hbm>>
      %dma_start3A_16 = tpu.memref_squeeze %dma_start3A_15 : memref<1x1x100x100xi32, #tpu.memory_space<hbm>> -> memref<100x100xi32, #tpu.memory_space<hbm>>
      %dma_start3A_17 = arith.constant 0 : i32
      %dma_start3A_18 = arith.constant 0 : i32
      %dma_start3A_19 = tpu.memref_slice %arg2[%run_scoped3A, %add3A, %dma_start3A_17, %dma_start3A_18] : memref<2x32x100x100xi32, #tpu.memory_space<hbm>> -> memref<1x1x100x100xi32, #tpu.memory_space<hbm>>
      %dma_start3A_20 = tpu.memref_squeeze %dma_start3A_19 : memref<1x1x100x100xi32, #tpu.memory_space<hbm>> -> memref<100x100xi32, #tpu.memory_space<hbm>>
      tpu.enqueue_dma source(%dma_start3A_20 : memref<100x100xi32, #tpu.memory_space<hbm>>) target(%arg7 : memref<100x100xi32, #tpu.memory_space<vmem>>) target_semaphore(%run_scoped3A_13 : memref<!tpu.dma_semaphore, #tpu.memory_space<semaphore_mem>>)
      %dma_wait3A = arith.constant 0 : i32
      %dma_wait3A_21 = arith.constant 0 : i32
      %dma_wait3A_22 = tpu.memref_slice %arg2[%run_scoped3A, %add3A, %dma_wait3A, %dma_wait3A_21] : memref<2x32x100x100xi32, #tpu.memory_space<hbm>> -> memref<1x1x100x100xi32, #tpu.memory_space<hbm>>
      %dma_wait3A_23 = tpu.memref_squeeze %dma_wait3A_22 : memref<1x1x100x100xi32, #tpu.memory_space<hbm>> -> memref<100x100xi32, #tpu.memory_space<hbm>>
      %dma_wait3A_24 = arith.constant 0 : i32
      %dma_wait3A_25 = arith.constant 0 : i32
      %dma_wait3A_26 = tpu.memref_slice %arg2[%run_scoped3A, %add3A, %dma_wait3A_24, %dma_wait3A_25] : memref<2x32x100x100xi32, #tpu.memory_space<hbm>> -> memref<1x1x100x100xi32, #tpu.memory_space<hbm>>
      %dma_wait3A_27 = tpu.memref_squeeze %dma_wait3A_26 : memref<1x1x100x100xi32, #tpu.memory_space<hbm>> -> memref<100x100xi32, #tpu.memory_space<hbm>>
      tpu.wait_dma2 semaphore(%run_scoped3A_13 : memref<!tpu.dma_semaphore, #tpu.memory_space<semaphore_mem>>) src(%dma_wait3A_27 : memref<100x100xi32, #tpu.memory_space<hbm>>) dst(%arg7 : memref<100x100xi32, #tpu.memory_space<vmem>>)
      tpu.yield
    }) : () -> ()
    %mul3A_1 = arith.constant 640 : i32
    %mul3A_2 = arith.muli %arg1, %mul3A_1 : i32
    "tpu.region"() ({
      %run_scoped3A_13 = tpu.sem_alloc : memref<!tpu.dma_semaphore, #tpu.memory_space<semaphore_mem>>
      %dma_start3A = arith.constant 0 : i32
      %dma_start3A_14 = tpu.memref_slice %arg6[%mul3A_2, %dma_start3A] : memref<10240x16xf32, #tpu.memory_space<vmem_shared>> -> memref<640x16xf32, #tpu.memory_space<vmem_shared>>
      tpu.enqueue_dma source(%arg4 : memref<640x16xf32, #tpu.memory_space<hbm>>) target(%dma_start3A_14 : memref<640x16xf32, #tpu.memory_space<vmem_shared>>) target_semaphore(%run_scoped3A_13 : memref<!tpu.dma_semaphore, #tpu.memory_space<semaphore_mem>>)
      %dma_wait3A = arith.constant 0 : i32
      %dma_wait3A_15 = tpu.memref_slice %arg6[%mul3A_2, %dma_wait3A] : memref<10240x16xf32, #tpu.memory_space<vmem_shared>> -> memref<640x16xf32, #tpu.memory_space<vmem_shared>>
      tpu.wait_dma2 semaphore(%run_scoped3A_13 : memref<!tpu.dma_semaphore, #tpu.memory_space<semaphore_mem>>) src(%arg4 : memref<640x16xf32, #tpu.memory_space<hbm>>) dst(%dma_wait3A_15 : memref<640x16xf32, #tpu.memory_space<vmem_shared>>)
      tpu.yield
    }) : () -> ()
    "tpu.region"() ({
      %run_scoped3A_13 = tpu.sem_alloc : memref<!tpu.dma_semaphore, #tpu.memory_space<semaphore_mem>>
      tpu.enqueue_dma source(%arg3 : memref<100x16xf32, #tpu.memory_space<hbm>>) target(%arg8 : memref<100x16xf32, #tpu.memory_space<vmem>>) target_semaphore(%run_scoped3A_13 : memref<!tpu.dma_semaphore, #tpu.memory_space<semaphore_mem>>)
      tpu.wait_dma2 semaphore(%run_scoped3A_13 : memref<!tpu.dma_semaphore, #tpu.memory_space<semaphore_mem>>) src(%arg3 : memref<100x16xf32, #tpu.memory_space<hbm>>) dst(%arg8 : memref<100x16xf32, #tpu.memory_space<vmem>>)
      tpu.yield
    }) : () -> ()
    %barrier3A = arith.constant 0 : index
    tpu.barrier barrier_id(%barrier3A)
    %scan3A = arith.constant 0 : i32
    %scan3A_3 = arith.constant 0 : i32
    %scan3A_4 = arith.constant 100 : i32
    %scan3A_5 = arith.addi %scan3A_3, %scan3A_4 : i32
    %scan3A_6 = arith.constant 1 : i32
    scf.for %scan3A_13 = %scan3A_3 to %scan3A_5 step %scan3A_6  : i32 {
      "tpu.region"() ({
        %run_scoped3A_14 = tpu.sem_alloc : memref<!tpu.dma_semaphore, #tpu.memory_space<semaphore_mem>>
        %dma_start3A = arith.constant 0 : i32
        %dma_start3A_15 = tpu.memref_slice %arg7[%scan3A_13, %dma_start3A] : memref<100x100xi32, #tpu.memory_space<vmem>> -> memref<1x100xi32, #tpu.memory_space<vmem>>
        %dma_start3A_16 = tpu.memref_squeeze %dma_start3A_15 : memref<1x100xi32, #tpu.memory_space<vmem>> -> memref<100xi32, #tpu.memory_space<vmem>>
        %dma_start3A_17 = arith.constant 0 : i32
        %dma_start3A_18 = arith.constant 0 : i32
        %dma_start3A_19 = tpu.memref_slice %arg6[%dma_start3A_17, %dma_start3A_18] : memref<10240x16xf32, #tpu.memory_space<vmem_shared>> -> memref<10240x16xf32, #tpu.memory_space<vmem_shared>>
        tpu.enqueue_indirect_dma source(%arg8 : memref<100x16xf32, #tpu.memory_space<vmem>>) target(%dma_start3A_19 : memref<10240x16xf32, #tpu.memory_space<vmem_shared>>) offsets(%dma_start3A_16 : memref<100xi32, #tpu.memory_space<vmem>>) semaphore(%run_scoped3A_14 : memref<!tpu.dma_semaphore, #tpu.memory_space<semaphore_mem>>) {add = true}
        %dma_wait3A = arith.constant 0 : i32
        %dma_wait3A_20 = tpu.memref_slice %arg7[%scan3A_13, %dma_wait3A] : memref<100x100xi32, #tpu.memory_space<vmem>> -> memref<1x100xi32, #tpu.memory_space<vmem>>
        %dma_wait3A_21 = tpu.memref_squeeze %dma_wait3A_20 : memref<1x100xi32, #tpu.memory_space<vmem>> -> memref<100xi32, #tpu.memory_space<vmem>>
        %dma_wait3A_22 = arith.constant 0 : i32
        %dma_wait3A_23 = arith.constant 0 : i32
        %dma_wait3A_24 = tpu.memref_slice %arg6[%dma_wait3A_22, %dma_wait3A_23] : memref<10240x16xf32, #tpu.memory_space<vmem_shared>> -> memref<10240x16xf32, #tpu.memory_space<vmem_shared>>
        tpu.wait_indirect_dma semaphore(%run_scoped3A_14 : memref<!tpu.dma_semaphore, #tpu.memory_space<semaphore_mem>>) src(%arg8 : memref<100x16xf32, #tpu.memory_space<vmem>>) dst(%dma_wait3A_24 : memref<10240x16xf32, #tpu.memory_space<vmem_shared>>)
        tpu.yield
      }) : () -> ()
    }
    %scan3A_7 = arith.constant 100 : i32
    %barrier3A_8 = arith.constant 0 : index
    tpu.barrier barrier_id(%barrier3A_8)
    %mul3A_9 = arith.constant 640 : i32
    %mul3A_10 = arith.muli %arg1, %mul3A_9 : i32
    %mul3A_11 = arith.constant 640 : i32
    %mul3A_12 = arith.muli %arg1, %mul3A_11 : i32
    "tpu.region"() ({
      %run_scoped3A_13 = tpu.sem_alloc : memref<!tpu.dma_semaphore, #tpu.memory_space<semaphore_mem>>
      %dma_start3A = arith.constant 0 : i32
      %dma_start3A_14 = tpu.memref_slice %arg5[%arg0, %mul3A_12, %dma_start3A] : memref<2x10240x16xf32, #tpu.memory_space<hbm>> -> memref<1x640x16xf32, #tpu.memory_space<hbm>>
      %dma_start3A_15 = tpu.memref_squeeze %dma_start3A_14 : memref<1x640x16xf32, #tpu.memory_space<hbm>> -> memref<640x16xf32, #tpu.memory_space<hbm>>
      %dma_start3A_16 = arith.constant 0 : i32
      %dma_start3A_17 = tpu.memref_slice %arg6[%mul3A_10, %dma_start3A_16] : memref<10240x16xf32, #tpu.memory_space<vmem_shared>> -> memref<640x16xf32, #tpu.memory_space<vmem_shared>>
      tpu.enqueue_dma source(%dma_start3A_17 : memref<640x16xf32, #tpu.memory_space<vmem_shared>>) target(%dma_start3A_15 : memref<640x16xf32, #tpu.memory_space<hbm>>) target_semaphore(%run_scoped3A_13 : memref<!tpu.dma_semaphore, #tpu.memory_space<semaphore_mem>>)
      %dma_wait3A = arith.constant 0 : i32
      %dma_wait3A_18 = tpu.memref_slice %arg5[%arg0, %mul3A_12, %dma_wait3A] : memref<2x10240x16xf32, #tpu.memory_space<hbm>> -> memref<1x640x16xf32, #tpu.memory_space<hbm>>
      %dma_wait3A_19 = tpu.memref_squeeze %dma_wait3A_18 : memref<1x640x16xf32, #tpu.memory_space<hbm>> -> memref<640x16xf32, #tpu.memory_space<hbm>>
      %dma_wait3A_20 = arith.constant 0 : i32
      %dma_wait3A_21 = tpu.memref_slice %arg6[%mul3A_10, %dma_wait3A_20] : memref<10240x16xf32, #tpu.memory_space<vmem_shared>> -> memref<640x16xf32, #tpu.memory_space<vmem_shared>>
      tpu.wait_dma2 semaphore(%run_scoped3A_13 : memref<!tpu.dma_semaphore, #tpu.memory_space<semaphore_mem>>) src(%dma_wait3A_21 : memref<640x16xf32, #tpu.memory_space<vmem_shared>>) dst(%dma_wait3A_19 : memref<640x16xf32, #tpu.memory_space<hbm>>)
      tpu.yield
    }) : () -> ()
    return
  }
}

#map = affine_map<(d0, d1) -> (0, 0, 0, 0)>
#map1 = affine_map<(d0, d1) -> (0, 0)>
#map2 = affine_map<(d0, d1) -> (0, 0, 0)>
module attributes {stable_mosaic.version = 14 : i64} {
  func.func @prop_kernel(%arg0: i32, %arg1: i32, %arg2: memref<2x32x100x100xi32, #tpu.memory_space<hbm>>, %arg3: memref<10000x64xbf16, #tpu.memory_space<hbm>>, %arg4: memref<640x64xbf16, #tpu.memory_space<hbm>>, %arg5: memref<2x10240x64xbf16, #tpu.memory_space<hbm>>, %arg6: memref<10240x64xbf16, #tpu.memory_space<vmem_shared>>, %arg7: memref<100x100xi32, #tpu.memory_space<vmem>>, %arg8: memref<100x100xi32, #tpu.memory_space<vmem>>, %arg9: memref<100x64xbf16, #tpu.memory_space<vmem>>, %arg10: memref<100x64xbf16, #tpu.memory_space<vmem>>, %arg11: memref<100x64xbf16, #tpu.memory_space<vmem>>, %arg12: memref<100x64xbf16, #tpu.memory_space<vmem>>, %arg13: memref<!tpu.dma_semaphore, #tpu.memory_space<semaphore_mem>>, %arg14: memref<!tpu.dma_semaphore, #tpu.memory_space<semaphore_mem>>, %arg15: memref<!tpu.dma_semaphore, #tpu.memory_space<semaphore_mem>>, %arg16: memref<!tpu.dma_semaphore, #tpu.memory_space<semaphore_mem>>) attributes {dimension_semantics = [#tpu.dimension_semantics<core_parallel>, #tpu.dimension_semantics<subcore_parallel>], iteration_bounds = array<i64: 2, 16>, scalar_prefetch = 0 : i64, scratch_operands = 11 : i64, tpu.core_type = #tpu.core_type<sc_vector_subcore>, window_params = [{transform_indices = #map}, {transform_indices = #map1}, {transform_indices = #map1}, {transform_indices = #map2}]} {
    %mul3A = arith.constant 16 : i32
    %mul3A_0 = arith.muli %arg0, %mul3A : i32
    %add3A = arith.addi %mul3A_0, %arg1 : i32
    %run_scoped3A = arith.constant 0 : i32
    "tpu.region"() ({
      %run_scoped3A_72 = tpu.sem_alloc : memref<!tpu.dma_semaphore, #tpu.memory_space<semaphore_mem>>
      %dma_start3A_73 = arith.constant 0 : i32
      %dma_start3A_74 = arith.constant 0 : i32
      %dma_start3A_75 = tpu.memref_slice %arg2[%run_scoped3A, %add3A, %dma_start3A_73, %dma_start3A_74] : memref<2x32x100x100xi32, #tpu.memory_space<hbm>> -> memref<1x1x100x100xi32, #tpu.memory_space<hbm>>
      %dma_start3A_76 = tpu.memref_squeeze %dma_start3A_75 : memref<1x1x100x100xi32, #tpu.memory_space<hbm>> -> memref<100x100xi32, #tpu.memory_space<hbm>>
      %dma_start3A_77 = arith.constant 0 : i32
      %dma_start3A_78 = arith.constant 0 : i32
      %dma_start3A_79 = tpu.memref_slice %arg2[%run_scoped3A, %add3A, %dma_start3A_77, %dma_start3A_78] : memref<2x32x100x100xi32, #tpu.memory_space<hbm>> -> memref<1x1x100x100xi32, #tpu.memory_space<hbm>>
      %dma_start3A_80 = tpu.memref_squeeze %dma_start3A_79 : memref<1x1x100x100xi32, #tpu.memory_space<hbm>> -> memref<100x100xi32, #tpu.memory_space<hbm>>
      tpu.enqueue_dma source(%dma_start3A_80 : memref<100x100xi32, #tpu.memory_space<hbm>>) target(%arg7 : memref<100x100xi32, #tpu.memory_space<vmem>>) target_semaphore(%run_scoped3A_72 : memref<!tpu.dma_semaphore, #tpu.memory_space<semaphore_mem>>)
      %dma_wait3A_81 = arith.constant 0 : i32
      %dma_wait3A_82 = arith.constant 0 : i32
      %dma_wait3A_83 = tpu.memref_slice %arg2[%run_scoped3A, %add3A, %dma_wait3A_81, %dma_wait3A_82] : memref<2x32x100x100xi32, #tpu.memory_space<hbm>> -> memref<1x1x100x100xi32, #tpu.memory_space<hbm>>
      %dma_wait3A_84 = tpu.memref_squeeze %dma_wait3A_83 : memref<1x1x100x100xi32, #tpu.memory_space<hbm>> -> memref<100x100xi32, #tpu.memory_space<hbm>>
      %dma_wait3A_85 = arith.constant 0 : i32
      %dma_wait3A_86 = arith.constant 0 : i32
      %dma_wait3A_87 = tpu.memref_slice %arg2[%run_scoped3A, %add3A, %dma_wait3A_85, %dma_wait3A_86] : memref<2x32x100x100xi32, #tpu.memory_space<hbm>> -> memref<1x1x100x100xi32, #tpu.memory_space<hbm>>
      %dma_wait3A_88 = tpu.memref_squeeze %dma_wait3A_87 : memref<1x1x100x100xi32, #tpu.memory_space<hbm>> -> memref<100x100xi32, #tpu.memory_space<hbm>>
      tpu.wait_dma2 semaphore(%run_scoped3A_72 : memref<!tpu.dma_semaphore, #tpu.memory_space<semaphore_mem>>) src(%dma_wait3A_88 : memref<100x100xi32, #tpu.memory_space<hbm>>) dst(%arg7 : memref<100x100xi32, #tpu.memory_space<vmem>>)
      tpu.yield
    }) : () -> ()
    %run_scoped3A_1 = arith.constant 1 : i32
    "tpu.region"() ({
      %run_scoped3A_72 = tpu.sem_alloc : memref<!tpu.dma_semaphore, #tpu.memory_space<semaphore_mem>>
      %dma_start3A_73 = arith.constant 0 : i32
      %dma_start3A_74 = arith.constant 0 : i32
      %dma_start3A_75 = tpu.memref_slice %arg2[%run_scoped3A_1, %add3A, %dma_start3A_73, %dma_start3A_74] : memref<2x32x100x100xi32, #tpu.memory_space<hbm>> -> memref<1x1x100x100xi32, #tpu.memory_space<hbm>>
      %dma_start3A_76 = tpu.memref_squeeze %dma_start3A_75 : memref<1x1x100x100xi32, #tpu.memory_space<hbm>> -> memref<100x100xi32, #tpu.memory_space<hbm>>
      %dma_start3A_77 = arith.constant 0 : i32
      %dma_start3A_78 = arith.constant 0 : i32
      %dma_start3A_79 = tpu.memref_slice %arg2[%run_scoped3A_1, %add3A, %dma_start3A_77, %dma_start3A_78] : memref<2x32x100x100xi32, #tpu.memory_space<hbm>> -> memref<1x1x100x100xi32, #tpu.memory_space<hbm>>
      %dma_start3A_80 = tpu.memref_squeeze %dma_start3A_79 : memref<1x1x100x100xi32, #tpu.memory_space<hbm>> -> memref<100x100xi32, #tpu.memory_space<hbm>>
      tpu.enqueue_dma source(%dma_start3A_80 : memref<100x100xi32, #tpu.memory_space<hbm>>) target(%arg8 : memref<100x100xi32, #tpu.memory_space<vmem>>) target_semaphore(%run_scoped3A_72 : memref<!tpu.dma_semaphore, #tpu.memory_space<semaphore_mem>>)
      %dma_wait3A_81 = arith.constant 0 : i32
      %dma_wait3A_82 = arith.constant 0 : i32
      %dma_wait3A_83 = tpu.memref_slice %arg2[%run_scoped3A_1, %add3A, %dma_wait3A_81, %dma_wait3A_82] : memref<2x32x100x100xi32, #tpu.memory_space<hbm>> -> memref<1x1x100x100xi32, #tpu.memory_space<hbm>>
      %dma_wait3A_84 = tpu.memref_squeeze %dma_wait3A_83 : memref<1x1x100x100xi32, #tpu.memory_space<hbm>> -> memref<100x100xi32, #tpu.memory_space<hbm>>
      %dma_wait3A_85 = arith.constant 0 : i32
      %dma_wait3A_86 = arith.constant 0 : i32
      %dma_wait3A_87 = tpu.memref_slice %arg2[%run_scoped3A_1, %add3A, %dma_wait3A_85, %dma_wait3A_86] : memref<2x32x100x100xi32, #tpu.memory_space<hbm>> -> memref<1x1x100x100xi32, #tpu.memory_space<hbm>>
      %dma_wait3A_88 = tpu.memref_squeeze %dma_wait3A_87 : memref<1x1x100x100xi32, #tpu.memory_space<hbm>> -> memref<100x100xi32, #tpu.memory_space<hbm>>
      tpu.wait_dma2 semaphore(%run_scoped3A_72 : memref<!tpu.dma_semaphore, #tpu.memory_space<semaphore_mem>>) src(%dma_wait3A_88 : memref<100x100xi32, #tpu.memory_space<hbm>>) dst(%arg8 : memref<100x100xi32, #tpu.memory_space<vmem>>)
      tpu.yield
    }) : () -> ()
    %mul3A_2 = arith.constant 640 : i32
    %mul3A_3 = arith.muli %arg1, %mul3A_2 : i32
    "tpu.region"() ({
      %run_scoped3A_72 = tpu.sem_alloc : memref<!tpu.dma_semaphore, #tpu.memory_space<semaphore_mem>>
      %dma_start3A_73 = arith.constant 0 : i32
      %dma_start3A_74 = tpu.memref_slice %arg6[%mul3A_3, %dma_start3A_73] : memref<10240x64xbf16, #tpu.memory_space<vmem_shared>> -> memref<640x64xbf16, #tpu.memory_space<vmem_shared>>
      tpu.enqueue_dma source(%arg4 : memref<640x64xbf16, #tpu.memory_space<hbm>>) target(%dma_start3A_74 : memref<640x64xbf16, #tpu.memory_space<vmem_shared>>) target_semaphore(%run_scoped3A_72 : memref<!tpu.dma_semaphore, #tpu.memory_space<semaphore_mem>>)
      %dma_wait3A_75 = arith.constant 0 : i32
      %dma_wait3A_76 = tpu.memref_slice %arg6[%mul3A_3, %dma_wait3A_75] : memref<10240x64xbf16, #tpu.memory_space<vmem_shared>> -> memref<640x64xbf16, #tpu.memory_space<vmem_shared>>
      tpu.wait_dma2 semaphore(%run_scoped3A_72 : memref<!tpu.dma_semaphore, #tpu.memory_space<semaphore_mem>>) src(%arg4 : memref<640x64xbf16, #tpu.memory_space<hbm>>) dst(%dma_wait3A_76 : memref<640x64xbf16, #tpu.memory_space<vmem_shared>>)
      tpu.yield
    }) : () -> ()
    %barrier3A = arith.constant 0 : index
    tpu.barrier barrier_id(%barrier3A)
    %dma_start3A = arith.constant 0 : i32
    %dma_start3A_4 = arith.constant 0 : i32
    %dma_start3A_5 = tpu.memref_slice %arg7[%dma_start3A, %dma_start3A_4] : memref<100x100xi32, #tpu.memory_space<vmem>> -> memref<1x100xi32, #tpu.memory_space<vmem>>
    %dma_start3A_6 = tpu.memref_squeeze %dma_start3A_5 : memref<1x100xi32, #tpu.memory_space<vmem>> -> memref<100xi32, #tpu.memory_space<vmem>>
    %dma_start3A_7 = arith.constant 0 : i32
    %dma_start3A_8 = arith.constant 0 : i32
    %dma_start3A_9 = tpu.memref_slice %arg3[%dma_start3A_7, %dma_start3A_8] : memref<10000x64xbf16, #tpu.memory_space<hbm>> -> memref<10000x64xbf16, #tpu.memory_space<hbm>>
    tpu.enqueue_indirect_dma source(%dma_start3A_9 : memref<10000x64xbf16, #tpu.memory_space<hbm>>) target(%arg9 : memref<100x64xbf16, #tpu.memory_space<vmem>>) offsets(%dma_start3A_6 : memref<100xi32, #tpu.memory_space<vmem>>) semaphore(%arg13 : memref<!tpu.dma_semaphore, #tpu.memory_space<semaphore_mem>>)
    %dma_start3A_10 = arith.constant 1 : i32
    %dma_start3A_11 = arith.constant 0 : i32
    %dma_start3A_12 = tpu.memref_slice %arg7[%dma_start3A_10, %dma_start3A_11] : memref<100x100xi32, #tpu.memory_space<vmem>> -> memref<1x100xi32, #tpu.memory_space<vmem>>
    %dma_start3A_13 = tpu.memref_squeeze %dma_start3A_12 : memref<1x100xi32, #tpu.memory_space<vmem>> -> memref<100xi32, #tpu.memory_space<vmem>>
    %dma_start3A_14 = arith.constant 0 : i32
    %dma_start3A_15 = arith.constant 0 : i32
    %dma_start3A_16 = tpu.memref_slice %arg3[%dma_start3A_14, %dma_start3A_15] : memref<10000x64xbf16, #tpu.memory_space<hbm>> -> memref<10000x64xbf16, #tpu.memory_space<hbm>>
    tpu.enqueue_indirect_dma source(%dma_start3A_16 : memref<10000x64xbf16, #tpu.memory_space<hbm>>) target(%arg10 : memref<100x64xbf16, #tpu.memory_space<vmem>>) offsets(%dma_start3A_13 : memref<100xi32, #tpu.memory_space<vmem>>) semaphore(%arg14 : memref<!tpu.dma_semaphore, #tpu.memory_space<semaphore_mem>>)
    %dma_start3A_17 = arith.constant 2 : i32
    %dma_start3A_18 = arith.constant 0 : i32
    %dma_start3A_19 = tpu.memref_slice %arg7[%dma_start3A_17, %dma_start3A_18] : memref<100x100xi32, #tpu.memory_space<vmem>> -> memref<1x100xi32, #tpu.memory_space<vmem>>
    %dma_start3A_20 = tpu.memref_squeeze %dma_start3A_19 : memref<1x100xi32, #tpu.memory_space<vmem>> -> memref<100xi32, #tpu.memory_space<vmem>>
    %dma_start3A_21 = arith.constant 0 : i32
    %dma_start3A_22 = arith.constant 0 : i32
    %dma_start3A_23 = tpu.memref_slice %arg3[%dma_start3A_21, %dma_start3A_22] : memref<10000x64xbf16, #tpu.memory_space<hbm>> -> memref<10000x64xbf16, #tpu.memory_space<hbm>>
    tpu.enqueue_indirect_dma source(%dma_start3A_23 : memref<10000x64xbf16, #tpu.memory_space<hbm>>) target(%arg11 : memref<100x64xbf16, #tpu.memory_space<vmem>>) offsets(%dma_start3A_20 : memref<100xi32, #tpu.memory_space<vmem>>) semaphore(%arg15 : memref<!tpu.dma_semaphore, #tpu.memory_space<semaphore_mem>>)
    %dma_start3A_24 = arith.constant 3 : i32
    %dma_start3A_25 = arith.constant 0 : i32
    %dma_start3A_26 = tpu.memref_slice %arg7[%dma_start3A_24, %dma_start3A_25] : memref<100x100xi32, #tpu.memory_space<vmem>> -> memref<1x100xi32, #tpu.memory_space<vmem>>
    %dma_start3A_27 = tpu.memref_squeeze %dma_start3A_26 : memref<1x100xi32, #tpu.memory_space<vmem>> -> memref<100xi32, #tpu.memory_space<vmem>>
    %dma_start3A_28 = arith.constant 0 : i32
    %dma_start3A_29 = arith.constant 0 : i32
    %dma_start3A_30 = tpu.memref_slice %arg3[%dma_start3A_28, %dma_start3A_29] : memref<10000x64xbf16, #tpu.memory_space<hbm>> -> memref<10000x64xbf16, #tpu.memory_space<hbm>>
    tpu.enqueue_indirect_dma source(%dma_start3A_30 : memref<10000x64xbf16, #tpu.memory_space<hbm>>) target(%arg12 : memref<100x64xbf16, #tpu.memory_space<vmem>>) offsets(%dma_start3A_27 : memref<100xi32, #tpu.memory_space<vmem>>) semaphore(%arg16 : memref<!tpu.dma_semaphore, #tpu.memory_space<semaphore_mem>>)
    %scan3A = arith.constant 0 : i32
    %scan3A_31 = arith.constant 0 : i32
    %scan3A_32 = arith.constant 24 : i32
    %scan3A_33 = arith.addi %scan3A_31, %scan3A_32 : i32
    %scan3A_34 = arith.constant 1 : i32
    scf.for %scan3A_72 = %scan3A_31 to %scan3A_33 step %scan3A_34  : i32 {
      %mul3A_73 = arith.constant 4 : i32
      %mul3A_74 = arith.muli %scan3A_72, %mul3A_73 : i32
      %add3A_75 = arith.constant 0 : i32
      %add3A_76 = arith.addi %mul3A_74, %add3A_75 : i32
      %dma_wait3A_77 = arith.constant 0 : i32
      %dma_wait3A_78 = tpu.memref_slice %arg7[%add3A_76, %dma_wait3A_77] : memref<100x100xi32, #tpu.memory_space<vmem>> -> memref<1x100xi32, #tpu.memory_space<vmem>>
      %dma_wait3A_79 = tpu.memref_squeeze %dma_wait3A_78 : memref<1x100xi32, #tpu.memory_space<vmem>> -> memref<100xi32, #tpu.memory_space<vmem>>
      %dma_wait3A_80 = arith.constant 0 : i32
      %dma_wait3A_81 = arith.constant 0 : i32
      %dma_wait3A_82 = tpu.memref_slice %arg3[%dma_wait3A_80, %dma_wait3A_81] : memref<10000x64xbf16, #tpu.memory_space<hbm>> -> memref<10000x64xbf16, #tpu.memory_space<hbm>>
      tpu.wait_indirect_dma semaphore(%arg13 : memref<!tpu.dma_semaphore, #tpu.memory_space<semaphore_mem>>) src(%dma_wait3A_82 : memref<10000x64xbf16, #tpu.memory_space<hbm>>) dst(%arg9 : memref<100x64xbf16, #tpu.memory_space<vmem>>)
      "tpu.region"() ({
        %run_scoped3A_147 = tpu.sem_alloc : memref<!tpu.dma_semaphore, #tpu.memory_space<semaphore_mem>>
        %dma_start3A_148 = arith.constant 0 : i32
        %dma_start3A_149 = tpu.memref_slice %arg8[%add3A_76, %dma_start3A_148] : memref<100x100xi32, #tpu.memory_space<vmem>> -> memref<1x100xi32, #tpu.memory_space<vmem>>
        %dma_start3A_150 = tpu.memref_squeeze %dma_start3A_149 : memref<1x100xi32, #tpu.memory_space<vmem>> -> memref<100xi32, #tpu.memory_space<vmem>>
        %dma_start3A_151 = arith.constant 0 : i32
        %dma_start3A_152 = arith.constant 0 : i32
        %dma_start3A_153 = tpu.memref_slice %arg6[%dma_start3A_151, %dma_start3A_152] : memref<10240x64xbf16, #tpu.memory_space<vmem_shared>> -> memref<10240x64xbf16, #tpu.memory_space<vmem_shared>>
        tpu.enqueue_indirect_dma source(%arg9 : memref<100x64xbf16, #tpu.memory_space<vmem>>) target(%dma_start3A_153 : memref<10240x64xbf16, #tpu.memory_space<vmem_shared>>) offsets(%dma_start3A_150 : memref<100xi32, #tpu.memory_space<vmem>>) semaphore(%run_scoped3A_147 : memref<!tpu.dma_semaphore, #tpu.memory_space<semaphore_mem>>) {add = true}
        %dma_wait3A_154 = arith.constant 0 : i32
        %dma_wait3A_155 = tpu.memref_slice %arg8[%add3A_76, %dma_wait3A_154] : memref<100x100xi32, #tpu.memory_space<vmem>> -> memref<1x100xi32, #tpu.memory_space<vmem>>
        %dma_wait3A_156 = tpu.memref_squeeze %dma_wait3A_155 : memref<1x100xi32, #tpu.memory_space<vmem>> -> memref<100xi32, #tpu.memory_space<vmem>>
        %dma_wait3A_157 = arith.constant 0 : i32
        %dma_wait3A_158 = arith.constant 0 : i32
        %dma_wait3A_159 = tpu.memref_slice %arg6[%dma_wait3A_157, %dma_wait3A_158] : memref<10240x64xbf16, #tpu.memory_space<vmem_shared>> -> memref<10240x64xbf16, #tpu.memory_space<vmem_shared>>
        tpu.wait_indirect_dma semaphore(%run_scoped3A_147 : memref<!tpu.dma_semaphore, #tpu.memory_space<semaphore_mem>>) src(%arg9 : memref<100x64xbf16, #tpu.memory_space<vmem>>) dst(%dma_wait3A_159 : memref<10240x64xbf16, #tpu.memory_space<vmem_shared>>)
        tpu.yield
      }) : () -> ()
      %add3A_83 = arith.constant 4 : i32
      %add3A_84 = arith.addi %mul3A_74, %add3A_83 : i32
      %add3A_85 = arith.constant 0 : i32
      %add3A_86 = arith.addi %add3A_84, %add3A_85 : i32
      %dma_start3A_87 = arith.constant 0 : i32
      %dma_start3A_88 = tpu.memref_slice %arg7[%add3A_86, %dma_start3A_87] : memref<100x100xi32, #tpu.memory_space<vmem>> -> memref<1x100xi32, #tpu.memory_space<vmem>>
      %dma_start3A_89 = tpu.memref_squeeze %dma_start3A_88 : memref<1x100xi32, #tpu.memory_space<vmem>> -> memref<100xi32, #tpu.memory_space<vmem>>
      %dma_start3A_90 = arith.constant 0 : i32
      %dma_start3A_91 = arith.constant 0 : i32
      %dma_start3A_92 = tpu.memref_slice %arg3[%dma_start3A_90, %dma_start3A_91] : memref<10000x64xbf16, #tpu.memory_space<hbm>> -> memref<10000x64xbf16, #tpu.memory_space<hbm>>
      tpu.enqueue_indirect_dma source(%dma_start3A_92 : memref<10000x64xbf16, #tpu.memory_space<hbm>>) target(%arg9 : memref<100x64xbf16, #tpu.memory_space<vmem>>) offsets(%dma_start3A_89 : memref<100xi32, #tpu.memory_space<vmem>>) semaphore(%arg13 : memref<!tpu.dma_semaphore, #tpu.memory_space<semaphore_mem>>)
      %add3A_93 = arith.constant 1 : i32
      %add3A_94 = arith.addi %mul3A_74, %add3A_93 : i32
      %dma_wait3A_95 = arith.constant 0 : i32
      %dma_wait3A_96 = tpu.memref_slice %arg7[%add3A_94, %dma_wait3A_95] : memref<100x100xi32, #tpu.memory_space<vmem>> -> memref<1x100xi32, #tpu.memory_space<vmem>>
      %dma_wait3A_97 = tpu.memref_squeeze %dma_wait3A_96 : memref<1x100xi32, #tpu.memory_space<vmem>> -> memref<100xi32, #tpu.memory_space<vmem>>
      %dma_wait3A_98 = arith.constant 0 : i32
      %dma_wait3A_99 = arith.constant 0 : i32
      %dma_wait3A_100 = tpu.memref_slice %arg3[%dma_wait3A_98, %dma_wait3A_99] : memref<10000x64xbf16, #tpu.memory_space<hbm>> -> memref<10000x64xbf16, #tpu.memory_space<hbm>>
      tpu.wait_indirect_dma semaphore(%arg14 : memref<!tpu.dma_semaphore, #tpu.memory_space<semaphore_mem>>) src(%dma_wait3A_100 : memref<10000x64xbf16, #tpu.memory_space<hbm>>) dst(%arg10 : memref<100x64xbf16, #tpu.memory_space<vmem>>)
      "tpu.region"() ({
        %run_scoped3A_147 = tpu.sem_alloc : memref<!tpu.dma_semaphore, #tpu.memory_space<semaphore_mem>>
        %dma_start3A_148 = arith.constant 0 : i32
        %dma_start3A_149 = tpu.memref_slice %arg8[%add3A_94, %dma_start3A_148] : memref<100x100xi32, #tpu.memory_space<vmem>> -> memref<1x100xi32, #tpu.memory_space<vmem>>
        %dma_start3A_150 = tpu.memref_squeeze %dma_start3A_149 : memref<1x100xi32, #tpu.memory_space<vmem>> -> memref<100xi32, #tpu.memory_space<vmem>>
        %dma_start3A_151 = arith.constant 0 : i32
        %dma_start3A_152 = arith.constant 0 : i32
        %dma_start3A_153 = tpu.memref_slice %arg6[%dma_start3A_151, %dma_start3A_152] : memref<10240x64xbf16, #tpu.memory_space<vmem_shared>> -> memref<10240x64xbf16, #tpu.memory_space<vmem_shared>>
        tpu.enqueue_indirect_dma source(%arg10 : memref<100x64xbf16, #tpu.memory_space<vmem>>) target(%dma_start3A_153 : memref<10240x64xbf16, #tpu.memory_space<vmem_shared>>) offsets(%dma_start3A_150 : memref<100xi32, #tpu.memory_space<vmem>>) semaphore(%run_scoped3A_147 : memref<!tpu.dma_semaphore, #tpu.memory_space<semaphore_mem>>) {add = true}
        %dma_wait3A_154 = arith.constant 0 : i32
        %dma_wait3A_155 = tpu.memref_slice %arg8[%add3A_94, %dma_wait3A_154] : memref<100x100xi32, #tpu.memory_space<vmem>> -> memref<1x100xi32, #tpu.memory_space<vmem>>
        %dma_wait3A_156 = tpu.memref_squeeze %dma_wait3A_155 : memref<1x100xi32, #tpu.memory_space<vmem>> -> memref<100xi32, #tpu.memory_space<vmem>>
        %dma_wait3A_157 = arith.constant 0 : i32
        %dma_wait3A_158 = arith.constant 0 : i32
        %dma_wait3A_159 = tpu.memref_slice %arg6[%dma_wait3A_157, %dma_wait3A_158] : memref<10240x64xbf16, #tpu.memory_space<vmem_shared>> -> memref<10240x64xbf16, #tpu.memory_space<vmem_shared>>
        tpu.wait_indirect_dma semaphore(%run_scoped3A_147 : memref<!tpu.dma_semaphore, #tpu.memory_space<semaphore_mem>>) src(%arg10 : memref<100x64xbf16, #tpu.memory_space<vmem>>) dst(%dma_wait3A_159 : memref<10240x64xbf16, #tpu.memory_space<vmem_shared>>)
        tpu.yield
      }) : () -> ()
      %add3A_101 = arith.constant 4 : i32
      %add3A_102 = arith.addi %mul3A_74, %add3A_101 : i32
      %add3A_103 = arith.constant 1 : i32
      %add3A_104 = arith.addi %add3A_102, %add3A_103 : i32
      %dma_start3A_105 = arith.constant 0 : i32
      %dma_start3A_106 = tpu.memref_slice %arg7[%add3A_104, %dma_start3A_105] : memref<100x100xi32, #tpu.memory_space<vmem>> -> memref<1x100xi32, #tpu.memory_space<vmem>>
      %dma_start3A_107 = tpu.memref_squeeze %dma_start3A_106 : memref<1x100xi32, #tpu.memory_space<vmem>> -> memref<100xi32, #tpu.memory_space<vmem>>
      %dma_start3A_108 = arith.constant 0 : i32
      %dma_start3A_109 = arith.constant 0 : i32
      %dma_start3A_110 = tpu.memref_slice %arg3[%dma_start3A_108, %dma_start3A_109] : memref<10000x64xbf16, #tpu.memory_space<hbm>> -> memref<10000x64xbf16, #tpu.memory_space<hbm>>
      tpu.enqueue_indirect_dma source(%dma_start3A_110 : memref<10000x64xbf16, #tpu.memory_space<hbm>>) target(%arg10 : memref<100x64xbf16, #tpu.memory_space<vmem>>) offsets(%dma_start3A_107 : memref<100xi32, #tpu.memory_space<vmem>>) semaphore(%arg14 : memref<!tpu.dma_semaphore, #tpu.memory_space<semaphore_mem>>)
      %add3A_111 = arith.constant 2 : i32
      %add3A_112 = arith.addi %mul3A_74, %add3A_111 : i32
      %dma_wait3A_113 = arith.constant 0 : i32
      %dma_wait3A_114 = tpu.memref_slice %arg7[%add3A_112, %dma_wait3A_113] : memref<100x100xi32, #tpu.memory_space<vmem>> -> memref<1x100xi32, #tpu.memory_space<vmem>>
      %dma_wait3A_115 = tpu.memref_squeeze %dma_wait3A_114 : memref<1x100xi32, #tpu.memory_space<vmem>> -> memref<100xi32, #tpu.memory_space<vmem>>
      %dma_wait3A_116 = arith.constant 0 : i32
      %dma_wait3A_117 = arith.constant 0 : i32
      %dma_wait3A_118 = tpu.memref_slice %arg3[%dma_wait3A_116, %dma_wait3A_117] : memref<10000x64xbf16, #tpu.memory_space<hbm>> -> memref<10000x64xbf16, #tpu.memory_space<hbm>>
      tpu.wait_indirect_dma semaphore(%arg15 : memref<!tpu.dma_semaphore, #tpu.memory_space<semaphore_mem>>) src(%dma_wait3A_118 : memref<10000x64xbf16, #tpu.memory_space<hbm>>) dst(%arg11 : memref<100x64xbf16, #tpu.memory_space<vmem>>)
      "tpu.region"() ({
        %run_scoped3A_147 = tpu.sem_alloc : memref<!tpu.dma_semaphore, #tpu.memory_space<semaphore_mem>>
        %dma_start3A_148 = arith.constant 0 : i32
        %dma_start3A_149 = tpu.memref_slice %arg8[%add3A_112, %dma_start3A_148] : memref<100x100xi32, #tpu.memory_space<vmem>> -> memref<1x100xi32, #tpu.memory_space<vmem>>
        %dma_start3A_150 = tpu.memref_squeeze %dma_start3A_149 : memref<1x100xi32, #tpu.memory_space<vmem>> -> memref<100xi32, #tpu.memory_space<vmem>>
        %dma_start3A_151 = arith.constant 0 : i32
        %dma_start3A_152 = arith.constant 0 : i32
        %dma_start3A_153 = tpu.memref_slice %arg6[%dma_start3A_151, %dma_start3A_152] : memref<10240x64xbf16, #tpu.memory_space<vmem_shared>> -> memref<10240x64xbf16, #tpu.memory_space<vmem_shared>>
        tpu.enqueue_indirect_dma source(%arg11 : memref<100x64xbf16, #tpu.memory_space<vmem>>) target(%dma_start3A_153 : memref<10240x64xbf16, #tpu.memory_space<vmem_shared>>) offsets(%dma_start3A_150 : memref<100xi32, #tpu.memory_space<vmem>>) semaphore(%run_scoped3A_147 : memref<!tpu.dma_semaphore, #tpu.memory_space<semaphore_mem>>) {add = true}
        %dma_wait3A_154 = arith.constant 0 : i32
        %dma_wait3A_155 = tpu.memref_slice %arg8[%add3A_112, %dma_wait3A_154] : memref<100x100xi32, #tpu.memory_space<vmem>> -> memref<1x100xi32, #tpu.memory_space<vmem>>
        %dma_wait3A_156 = tpu.memref_squeeze %dma_wait3A_155 : memref<1x100xi32, #tpu.memory_space<vmem>> -> memref<100xi32, #tpu.memory_space<vmem>>
        %dma_wait3A_157 = arith.constant 0 : i32
        %dma_wait3A_158 = arith.constant 0 : i32
        %dma_wait3A_159 = tpu.memref_slice %arg6[%dma_wait3A_157, %dma_wait3A_158] : memref<10240x64xbf16, #tpu.memory_space<vmem_shared>> -> memref<10240x64xbf16, #tpu.memory_space<vmem_shared>>
        tpu.wait_indirect_dma semaphore(%run_scoped3A_147 : memref<!tpu.dma_semaphore, #tpu.memory_space<semaphore_mem>>) src(%arg11 : memref<100x64xbf16, #tpu.memory_space<vmem>>) dst(%dma_wait3A_159 : memref<10240x64xbf16, #tpu.memory_space<vmem_shared>>)
        tpu.yield
      }) : () -> ()
      %add3A_119 = arith.constant 4 : i32
      %add3A_120 = arith.addi %mul3A_74, %add3A_119 : i32
      %add3A_121 = arith.constant 2 : i32
      %add3A_122 = arith.addi %add3A_120, %add3A_121 : i32
      %dma_start3A_123 = arith.constant 0 : i32
      %dma_start3A_124 = tpu.memref_slice %arg7[%add3A_122, %dma_start3A_123] : memref<100x100xi32, #tpu.memory_space<vmem>> -> memref<1x100xi32, #tpu.memory_space<vmem>>
      %dma_start3A_125 = tpu.memref_squeeze %dma_start3A_124 : memref<1x100xi32, #tpu.memory_space<vmem>> -> memref<100xi32, #tpu.memory_space<vmem>>
      %dma_start3A_126 = arith.constant 0 : i32
      %dma_start3A_127 = arith.constant 0 : i32
      %dma_start3A_128 = tpu.memref_slice %arg3[%dma_start3A_126, %dma_start3A_127] : memref<10000x64xbf16, #tpu.memory_space<hbm>> -> memref<10000x64xbf16, #tpu.memory_space<hbm>>
      tpu.enqueue_indirect_dma source(%dma_start3A_128 : memref<10000x64xbf16, #tpu.memory_space<hbm>>) target(%arg11 : memref<100x64xbf16, #tpu.memory_space<vmem>>) offsets(%dma_start3A_125 : memref<100xi32, #tpu.memory_space<vmem>>) semaphore(%arg15 : memref<!tpu.dma_semaphore, #tpu.memory_space<semaphore_mem>>)
      %add3A_129 = arith.constant 3 : i32
      %add3A_130 = arith.addi %mul3A_74, %add3A_129 : i32
      %dma_wait3A_131 = arith.constant 0 : i32
      %dma_wait3A_132 = tpu.memref_slice %arg7[%add3A_130, %dma_wait3A_131] : memref<100x100xi32, #tpu.memory_space<vmem>> -> memref<1x100xi32, #tpu.memory_space<vmem>>
      %dma_wait3A_133 = tpu.memref_squeeze %dma_wait3A_132 : memref<1x100xi32, #tpu.memory_space<vmem>> -> memref<100xi32, #tpu.memory_space<vmem>>
      %dma_wait3A_134 = arith.constant 0 : i32
      %dma_wait3A_135 = arith.constant 0 : i32
      %dma_wait3A_136 = tpu.memref_slice %arg3[%dma_wait3A_134, %dma_wait3A_135] : memref<10000x64xbf16, #tpu.memory_space<hbm>> -> memref<10000x64xbf16, #tpu.memory_space<hbm>>
      tpu.wait_indirect_dma semaphore(%arg16 : memref<!tpu.dma_semaphore, #tpu.memory_space<semaphore_mem>>) src(%dma_wait3A_136 : memref<10000x64xbf16, #tpu.memory_space<hbm>>) dst(%arg12 : memref<100x64xbf16, #tpu.memory_space<vmem>>)
      "tpu.region"() ({
        %run_scoped3A_147 = tpu.sem_alloc : memref<!tpu.dma_semaphore, #tpu.memory_space<semaphore_mem>>
        %dma_start3A_148 = arith.constant 0 : i32
        %dma_start3A_149 = tpu.memref_slice %arg8[%add3A_130, %dma_start3A_148] : memref<100x100xi32, #tpu.memory_space<vmem>> -> memref<1x100xi32, #tpu.memory_space<vmem>>
        %dma_start3A_150 = tpu.memref_squeeze %dma_start3A_149 : memref<1x100xi32, #tpu.memory_space<vmem>> -> memref<100xi32, #tpu.memory_space<vmem>>
        %dma_start3A_151 = arith.constant 0 : i32
        %dma_start3A_152 = arith.constant 0 : i32
        %dma_start3A_153 = tpu.memref_slice %arg6[%dma_start3A_151, %dma_start3A_152] : memref<10240x64xbf16, #tpu.memory_space<vmem_shared>> -> memref<10240x64xbf16, #tpu.memory_space<vmem_shared>>
        tpu.enqueue_indirect_dma source(%arg12 : memref<100x64xbf16, #tpu.memory_space<vmem>>) target(%dma_start3A_153 : memref<10240x64xbf16, #tpu.memory_space<vmem_shared>>) offsets(%dma_start3A_150 : memref<100xi32, #tpu.memory_space<vmem>>) semaphore(%run_scoped3A_147 : memref<!tpu.dma_semaphore, #tpu.memory_space<semaphore_mem>>) {add = true}
        %dma_wait3A_154 = arith.constant 0 : i32
        %dma_wait3A_155 = tpu.memref_slice %arg8[%add3A_130, %dma_wait3A_154] : memref<100x100xi32, #tpu.memory_space<vmem>> -> memref<1x100xi32, #tpu.memory_space<vmem>>
        %dma_wait3A_156 = tpu.memref_squeeze %dma_wait3A_155 : memref<1x100xi32, #tpu.memory_space<vmem>> -> memref<100xi32, #tpu.memory_space<vmem>>
        %dma_wait3A_157 = arith.constant 0 : i32
        %dma_wait3A_158 = arith.constant 0 : i32
        %dma_wait3A_159 = tpu.memref_slice %arg6[%dma_wait3A_157, %dma_wait3A_158] : memref<10240x64xbf16, #tpu.memory_space<vmem_shared>> -> memref<10240x64xbf16, #tpu.memory_space<vmem_shared>>
        tpu.wait_indirect_dma semaphore(%run_scoped3A_147 : memref<!tpu.dma_semaphore, #tpu.memory_space<semaphore_mem>>) src(%arg12 : memref<100x64xbf16, #tpu.memory_space<vmem>>) dst(%dma_wait3A_159 : memref<10240x64xbf16, #tpu.memory_space<vmem_shared>>)
        tpu.yield
      }) : () -> ()
      %add3A_137 = arith.constant 4 : i32
      %add3A_138 = arith.addi %mul3A_74, %add3A_137 : i32
      %add3A_139 = arith.constant 3 : i32
      %add3A_140 = arith.addi %add3A_138, %add3A_139 : i32
      %dma_start3A_141 = arith.constant 0 : i32
      %dma_start3A_142 = tpu.memref_slice %arg7[%add3A_140, %dma_start3A_141] : memref<100x100xi32, #tpu.memory_space<vmem>> -> memref<1x100xi32, #tpu.memory_space<vmem>>
      %dma_start3A_143 = tpu.memref_squeeze %dma_start3A_142 : memref<1x100xi32, #tpu.memory_space<vmem>> -> memref<100xi32, #tpu.memory_space<vmem>>
      %dma_start3A_144 = arith.constant 0 : i32
      %dma_start3A_145 = arith.constant 0 : i32
      %dma_start3A_146 = tpu.memref_slice %arg3[%dma_start3A_144, %dma_start3A_145] : memref<10000x64xbf16, #tpu.memory_space<hbm>> -> memref<10000x64xbf16, #tpu.memory_space<hbm>>
      tpu.enqueue_indirect_dma source(%dma_start3A_146 : memref<10000x64xbf16, #tpu.memory_space<hbm>>) target(%arg12 : memref<100x64xbf16, #tpu.memory_space<vmem>>) offsets(%dma_start3A_143 : memref<100xi32, #tpu.memory_space<vmem>>) semaphore(%arg16 : memref<!tpu.dma_semaphore, #tpu.memory_space<semaphore_mem>>)
    }
    %scan3A_35 = arith.constant 24 : i32
    %dma_wait3A = arith.constant 96 : i32
    %dma_wait3A_36 = arith.constant 0 : i32
    %dma_wait3A_37 = tpu.memref_slice %arg7[%dma_wait3A, %dma_wait3A_36] : memref<100x100xi32, #tpu.memory_space<vmem>> -> memref<1x100xi32, #tpu.memory_space<vmem>>
    %dma_wait3A_38 = tpu.memref_squeeze %dma_wait3A_37 : memref<1x100xi32, #tpu.memory_space<vmem>> -> memref<100xi32, #tpu.memory_space<vmem>>
    %dma_wait3A_39 = arith.constant 0 : i32
    %dma_wait3A_40 = arith.constant 0 : i32
    %dma_wait3A_41 = tpu.memref_slice %arg3[%dma_wait3A_39, %dma_wait3A_40] : memref<10000x64xbf16, #tpu.memory_space<hbm>> -> memref<10000x64xbf16, #tpu.memory_space<hbm>>
    tpu.wait_indirect_dma semaphore(%arg13 : memref<!tpu.dma_semaphore, #tpu.memory_space<semaphore_mem>>) src(%dma_wait3A_41 : memref<10000x64xbf16, #tpu.memory_space<hbm>>) dst(%arg9 : memref<100x64xbf16, #tpu.memory_space<vmem>>)
    %run_scoped3A_42 = arith.constant 96 : i32
    "tpu.region"() ({
      %run_scoped3A_72 = tpu.sem_alloc : memref<!tpu.dma_semaphore, #tpu.memory_space<semaphore_mem>>
      %dma_start3A_73 = arith.constant 0 : i32
      %dma_start3A_74 = tpu.memref_slice %arg8[%run_scoped3A_42, %dma_start3A_73] : memref<100x100xi32, #tpu.memory_space<vmem>> -> memref<1x100xi32, #tpu.memory_space<vmem>>
      %dma_start3A_75 = tpu.memref_squeeze %dma_start3A_74 : memref<1x100xi32, #tpu.memory_space<vmem>> -> memref<100xi32, #tpu.memory_space<vmem>>
      %dma_start3A_76 = arith.constant 0 : i32
      %dma_start3A_77 = arith.constant 0 : i32
      %dma_start3A_78 = tpu.memref_slice %arg6[%dma_start3A_76, %dma_start3A_77] : memref<10240x64xbf16, #tpu.memory_space<vmem_shared>> -> memref<10240x64xbf16, #tpu.memory_space<vmem_shared>>
      tpu.enqueue_indirect_dma source(%arg9 : memref<100x64xbf16, #tpu.memory_space<vmem>>) target(%dma_start3A_78 : memref<10240x64xbf16, #tpu.memory_space<vmem_shared>>) offsets(%dma_start3A_75 : memref<100xi32, #tpu.memory_space<vmem>>) semaphore(%run_scoped3A_72 : memref<!tpu.dma_semaphore, #tpu.memory_space<semaphore_mem>>) {add = true}
      %dma_wait3A_79 = arith.constant 0 : i32
      %dma_wait3A_80 = tpu.memref_slice %arg8[%run_scoped3A_42, %dma_wait3A_79] : memref<100x100xi32, #tpu.memory_space<vmem>> -> memref<1x100xi32, #tpu.memory_space<vmem>>
      %dma_wait3A_81 = tpu.memref_squeeze %dma_wait3A_80 : memref<1x100xi32, #tpu.memory_space<vmem>> -> memref<100xi32, #tpu.memory_space<vmem>>
      %dma_wait3A_82 = arith.constant 0 : i32
      %dma_wait3A_83 = arith.constant 0 : i32
      %dma_wait3A_84 = tpu.memref_slice %arg6[%dma_wait3A_82, %dma_wait3A_83] : memref<10240x64xbf16, #tpu.memory_space<vmem_shared>> -> memref<10240x64xbf16, #tpu.memory_space<vmem_shared>>
      tpu.wait_indirect_dma semaphore(%run_scoped3A_72 : memref<!tpu.dma_semaphore, #tpu.memory_space<semaphore_mem>>) src(%arg9 : memref<100x64xbf16, #tpu.memory_space<vmem>>) dst(%dma_wait3A_84 : memref<10240x64xbf16, #tpu.memory_space<vmem_shared>>)
      tpu.yield
    }) : () -> ()
    %dma_wait3A_43 = arith.constant 97 : i32
    %dma_wait3A_44 = arith.constant 0 : i32
    %dma_wait3A_45 = tpu.memref_slice %arg7[%dma_wait3A_43, %dma_wait3A_44] : memref<100x100xi32, #tpu.memory_space<vmem>> -> memref<1x100xi32, #tpu.memory_space<vmem>>
    %dma_wait3A_46 = tpu.memref_squeeze %dma_wait3A_45 : memref<1x100xi32, #tpu.memory_space<vmem>> -> memref<100xi32, #tpu.memory_space<vmem>>
    %dma_wait3A_47 = arith.constant 0 : i32
    %dma_wait3A_48 = arith.constant 0 : i32
    %dma_wait3A_49 = tpu.memref_slice %arg3[%dma_wait3A_47, %dma_wait3A_48] : memref<10000x64xbf16, #tpu.memory_space<hbm>> -> memref<10000x64xbf16, #tpu.memory_space<hbm>>
    tpu.wait_indirect_dma semaphore(%arg14 : memref<!tpu.dma_semaphore, #tpu.memory_space<semaphore_mem>>) src(%dma_wait3A_49 : memref<10000x64xbf16, #tpu.memory_space<hbm>>) dst(%arg10 : memref<100x64xbf16, #tpu.memory_space<vmem>>)
    %run_scoped3A_50 = arith.constant 97 : i32
    "tpu.region"() ({
      %run_scoped3A_72 = tpu.sem_alloc : memref<!tpu.dma_semaphore, #tpu.memory_space<semaphore_mem>>
      %dma_start3A_73 = arith.constant 0 : i32
      %dma_start3A_74 = tpu.memref_slice %arg8[%run_scoped3A_50, %dma_start3A_73] : memref<100x100xi32, #tpu.memory_space<vmem>> -> memref<1x100xi32, #tpu.memory_space<vmem>>
      %dma_start3A_75 = tpu.memref_squeeze %dma_start3A_74 : memref<1x100xi32, #tpu.memory_space<vmem>> -> memref<100xi32, #tpu.memory_space<vmem>>
      %dma_start3A_76 = arith.constant 0 : i32
      %dma_start3A_77 = arith.constant 0 : i32
      %dma_start3A_78 = tpu.memref_slice %arg6[%dma_start3A_76, %dma_start3A_77] : memref<10240x64xbf16, #tpu.memory_space<vmem_shared>> -> memref<10240x64xbf16, #tpu.memory_space<vmem_shared>>
      tpu.enqueue_indirect_dma source(%arg10 : memref<100x64xbf16, #tpu.memory_space<vmem>>) target(%dma_start3A_78 : memref<10240x64xbf16, #tpu.memory_space<vmem_shared>>) offsets(%dma_start3A_75 : memref<100xi32, #tpu.memory_space<vmem>>) semaphore(%run_scoped3A_72 : memref<!tpu.dma_semaphore, #tpu.memory_space<semaphore_mem>>) {add = true}
      %dma_wait3A_79 = arith.constant 0 : i32
      %dma_wait3A_80 = tpu.memref_slice %arg8[%run_scoped3A_50, %dma_wait3A_79] : memref<100x100xi32, #tpu.memory_space<vmem>> -> memref<1x100xi32, #tpu.memory_space<vmem>>
      %dma_wait3A_81 = tpu.memref_squeeze %dma_wait3A_80 : memref<1x100xi32, #tpu.memory_space<vmem>> -> memref<100xi32, #tpu.memory_space<vmem>>
      %dma_wait3A_82 = arith.constant 0 : i32
      %dma_wait3A_83 = arith.constant 0 : i32
      %dma_wait3A_84 = tpu.memref_slice %arg6[%dma_wait3A_82, %dma_wait3A_83] : memref<10240x64xbf16, #tpu.memory_space<vmem_shared>> -> memref<10240x64xbf16, #tpu.memory_space<vmem_shared>>
      tpu.wait_indirect_dma semaphore(%run_scoped3A_72 : memref<!tpu.dma_semaphore, #tpu.memory_space<semaphore_mem>>) src(%arg10 : memref<100x64xbf16, #tpu.memory_space<vmem>>) dst(%dma_wait3A_84 : memref<10240x64xbf16, #tpu.memory_space<vmem_shared>>)
      tpu.yield
    }) : () -> ()
    %dma_wait3A_51 = arith.constant 98 : i32
    %dma_wait3A_52 = arith.constant 0 : i32
    %dma_wait3A_53 = tpu.memref_slice %arg7[%dma_wait3A_51, %dma_wait3A_52] : memref<100x100xi32, #tpu.memory_space<vmem>> -> memref<1x100xi32, #tpu.memory_space<vmem>>
    %dma_wait3A_54 = tpu.memref_squeeze %dma_wait3A_53 : memref<1x100xi32, #tpu.memory_space<vmem>> -> memref<100xi32, #tpu.memory_space<vmem>>
    %dma_wait3A_55 = arith.constant 0 : i32
    %dma_wait3A_56 = arith.constant 0 : i32
    %dma_wait3A_57 = tpu.memref_slice %arg3[%dma_wait3A_55, %dma_wait3A_56] : memref<10000x64xbf16, #tpu.memory_space<hbm>> -> memref<10000x64xbf16, #tpu.memory_space<hbm>>
    tpu.wait_indirect_dma semaphore(%arg15 : memref<!tpu.dma_semaphore, #tpu.memory_space<semaphore_mem>>) src(%dma_wait3A_57 : memref<10000x64xbf16, #tpu.memory_space<hbm>>) dst(%arg11 : memref<100x64xbf16, #tpu.memory_space<vmem>>)
    %run_scoped3A_58 = arith.constant 98 : i32
    "tpu.region"() ({
      %run_scoped3A_72 = tpu.sem_alloc : memref<!tpu.dma_semaphore, #tpu.memory_space<semaphore_mem>>
      %dma_start3A_73 = arith.constant 0 : i32
      %dma_start3A_74 = tpu.memref_slice %arg8[%run_scoped3A_58, %dma_start3A_73] : memref<100x100xi32, #tpu.memory_space<vmem>> -> memref<1x100xi32, #tpu.memory_space<vmem>>
      %dma_start3A_75 = tpu.memref_squeeze %dma_start3A_74 : memref<1x100xi32, #tpu.memory_space<vmem>> -> memref<100xi32, #tpu.memory_space<vmem>>
      %dma_start3A_76 = arith.constant 0 : i32
      %dma_start3A_77 = arith.constant 0 : i32
      %dma_start3A_78 = tpu.memref_slice %arg6[%dma_start3A_76, %dma_start3A_77] : memref<10240x64xbf16, #tpu.memory_space<vmem_shared>> -> memref<10240x64xbf16, #tpu.memory_space<vmem_shared>>
      tpu.enqueue_indirect_dma source(%arg11 : memref<100x64xbf16, #tpu.memory_space<vmem>>) target(%dma_start3A_78 : memref<10240x64xbf16, #tpu.memory_space<vmem_shared>>) offsets(%dma_start3A_75 : memref<100xi32, #tpu.memory_space<vmem>>) semaphore(%run_scoped3A_72 : memref<!tpu.dma_semaphore, #tpu.memory_space<semaphore_mem>>) {add = true}
      %dma_wait3A_79 = arith.constant 0 : i32
      %dma_wait3A_80 = tpu.memref_slice %arg8[%run_scoped3A_58, %dma_wait3A_79] : memref<100x100xi32, #tpu.memory_space<vmem>> -> memref<1x100xi32, #tpu.memory_space<vmem>>
      %dma_wait3A_81 = tpu.memref_squeeze %dma_wait3A_80 : memref<1x100xi32, #tpu.memory_space<vmem>> -> memref<100xi32, #tpu.memory_space<vmem>>
      %dma_wait3A_82 = arith.constant 0 : i32
      %dma_wait3A_83 = arith.constant 0 : i32
      %dma_wait3A_84 = tpu.memref_slice %arg6[%dma_wait3A_82, %dma_wait3A_83] : memref<10240x64xbf16, #tpu.memory_space<vmem_shared>> -> memref<10240x64xbf16, #tpu.memory_space<vmem_shared>>
      tpu.wait_indirect_dma semaphore(%run_scoped3A_72 : memref<!tpu.dma_semaphore, #tpu.memory_space<semaphore_mem>>) src(%arg11 : memref<100x64xbf16, #tpu.memory_space<vmem>>) dst(%dma_wait3A_84 : memref<10240x64xbf16, #tpu.memory_space<vmem_shared>>)
      tpu.yield
    }) : () -> ()
    %dma_wait3A_59 = arith.constant 99 : i32
    %dma_wait3A_60 = arith.constant 0 : i32
    %dma_wait3A_61 = tpu.memref_slice %arg7[%dma_wait3A_59, %dma_wait3A_60] : memref<100x100xi32, #tpu.memory_space<vmem>> -> memref<1x100xi32, #tpu.memory_space<vmem>>
    %dma_wait3A_62 = tpu.memref_squeeze %dma_wait3A_61 : memref<1x100xi32, #tpu.memory_space<vmem>> -> memref<100xi32, #tpu.memory_space<vmem>>
    %dma_wait3A_63 = arith.constant 0 : i32
    %dma_wait3A_64 = arith.constant 0 : i32
    %dma_wait3A_65 = tpu.memref_slice %arg3[%dma_wait3A_63, %dma_wait3A_64] : memref<10000x64xbf16, #tpu.memory_space<hbm>> -> memref<10000x64xbf16, #tpu.memory_space<hbm>>
    tpu.wait_indirect_dma semaphore(%arg16 : memref<!tpu.dma_semaphore, #tpu.memory_space<semaphore_mem>>) src(%dma_wait3A_65 : memref<10000x64xbf16, #tpu.memory_space<hbm>>) dst(%arg12 : memref<100x64xbf16, #tpu.memory_space<vmem>>)
    %run_scoped3A_66 = arith.constant 99 : i32
    "tpu.region"() ({
      %run_scoped3A_72 = tpu.sem_alloc : memref<!tpu.dma_semaphore, #tpu.memory_space<semaphore_mem>>
      %dma_start3A_73 = arith.constant 0 : i32
      %dma_start3A_74 = tpu.memref_slice %arg8[%run_scoped3A_66, %dma_start3A_73] : memref<100x100xi32, #tpu.memory_space<vmem>> -> memref<1x100xi32, #tpu.memory_space<vmem>>
      %dma_start3A_75 = tpu.memref_squeeze %dma_start3A_74 : memref<1x100xi32, #tpu.memory_space<vmem>> -> memref<100xi32, #tpu.memory_space<vmem>>
      %dma_start3A_76 = arith.constant 0 : i32
      %dma_start3A_77 = arith.constant 0 : i32
      %dma_start3A_78 = tpu.memref_slice %arg6[%dma_start3A_76, %dma_start3A_77] : memref<10240x64xbf16, #tpu.memory_space<vmem_shared>> -> memref<10240x64xbf16, #tpu.memory_space<vmem_shared>>
      tpu.enqueue_indirect_dma source(%arg12 : memref<100x64xbf16, #tpu.memory_space<vmem>>) target(%dma_start3A_78 : memref<10240x64xbf16, #tpu.memory_space<vmem_shared>>) offsets(%dma_start3A_75 : memref<100xi32, #tpu.memory_space<vmem>>) semaphore(%run_scoped3A_72 : memref<!tpu.dma_semaphore, #tpu.memory_space<semaphore_mem>>) {add = true}
      %dma_wait3A_79 = arith.constant 0 : i32
      %dma_wait3A_80 = tpu.memref_slice %arg8[%run_scoped3A_66, %dma_wait3A_79] : memref<100x100xi32, #tpu.memory_space<vmem>> -> memref<1x100xi32, #tpu.memory_space<vmem>>
      %dma_wait3A_81 = tpu.memref_squeeze %dma_wait3A_80 : memref<1x100xi32, #tpu.memory_space<vmem>> -> memref<100xi32, #tpu.memory_space<vmem>>
      %dma_wait3A_82 = arith.constant 0 : i32
      %dma_wait3A_83 = arith.constant 0 : i32
      %dma_wait3A_84 = tpu.memref_slice %arg6[%dma_wait3A_82, %dma_wait3A_83] : memref<10240x64xbf16, #tpu.memory_space<vmem_shared>> -> memref<10240x64xbf16, #tpu.memory_space<vmem_shared>>
      tpu.wait_indirect_dma semaphore(%run_scoped3A_72 : memref<!tpu.dma_semaphore, #tpu.memory_space<semaphore_mem>>) src(%arg12 : memref<100x64xbf16, #tpu.memory_space<vmem>>) dst(%dma_wait3A_84 : memref<10240x64xbf16, #tpu.memory_space<vmem_shared>>)
      tpu.yield
    }) : () -> ()
    %barrier3A_67 = arith.constant 0 : index
    tpu.barrier barrier_id(%barrier3A_67)
    %mul3A_68 = arith.constant 640 : i32
    %mul3A_69 = arith.muli %arg1, %mul3A_68 : i32
    %mul3A_70 = arith.constant 640 : i32
    %mul3A_71 = arith.muli %arg1, %mul3A_70 : i32
    "tpu.region"() ({
      %run_scoped3A_72 = tpu.sem_alloc : memref<!tpu.dma_semaphore, #tpu.memory_space<semaphore_mem>>
      %dma_start3A_73 = arith.constant 0 : i32
      %dma_start3A_74 = tpu.memref_slice %arg5[%arg0, %mul3A_71, %dma_start3A_73] : memref<2x10240x64xbf16, #tpu.memory_space<hbm>> -> memref<1x640x64xbf16, #tpu.memory_space<hbm>>
      %dma_start3A_75 = tpu.memref_squeeze %dma_start3A_74 : memref<1x640x64xbf16, #tpu.memory_space<hbm>> -> memref<640x64xbf16, #tpu.memory_space<hbm>>
      %dma_start3A_76 = arith.constant 0 : i32
      %dma_start3A_77 = tpu.memref_slice %arg6[%mul3A_69, %dma_start3A_76] : memref<10240x64xbf16, #tpu.memory_space<vmem_shared>> -> memref<640x64xbf16, #tpu.memory_space<vmem_shared>>
      tpu.enqueue_dma source(%dma_start3A_77 : memref<640x64xbf16, #tpu.memory_space<vmem_shared>>) target(%dma_start3A_75 : memref<640x64xbf16, #tpu.memory_space<hbm>>) target_semaphore(%run_scoped3A_72 : memref<!tpu.dma_semaphore, #tpu.memory_space<semaphore_mem>>)
      %dma_wait3A_78 = arith.constant 0 : i32
      %dma_wait3A_79 = tpu.memref_slice %arg5[%arg0, %mul3A_71, %dma_wait3A_78] : memref<2x10240x64xbf16, #tpu.memory_space<hbm>> -> memref<1x640x64xbf16, #tpu.memory_space<hbm>>
      %dma_wait3A_80 = tpu.memref_squeeze %dma_wait3A_79 : memref<1x640x64xbf16, #tpu.memory_space<hbm>> -> memref<640x64xbf16, #tpu.memory_space<hbm>>
      %dma_wait3A_81 = arith.constant 0 : i32
      %dma_wait3A_82 = tpu.memref_slice %arg6[%mul3A_69, %dma_wait3A_81] : memref<10240x64xbf16, #tpu.memory_space<vmem_shared>> -> memref<640x64xbf16, #tpu.memory_space<vmem_shared>>
      tpu.wait_dma2 semaphore(%run_scoped3A_72 : memref<!tpu.dma_semaphore, #tpu.memory_space<semaphore_mem>>) src(%dma_wait3A_82 : memref<640x64xbf16, #tpu.memory_space<vmem_shared>>) dst(%dma_wait3A_80 : memref<640x64xbf16, #tpu.memory_space<hbm>>)
      tpu.yield
    }) : () -> ()
    return
  }
}

#map = affine_map<(d0, d1) -> (0, 0, 0, 0)>
#map1 = affine_map<(d0, d1) -> (0, 0)>
#map2 = affine_map<(d0, d1) -> (0, 0, 0)>
module attributes {stable_mosaic.version = 14 : i64} {
  func.func @prop_kernel(%arg0: i32, %arg1: i32, %arg2: memref<2x32x100x100xi32, #tpu.memory_space<hbm>>, %arg3: memref<10000x128xbf16, #tpu.memory_space<hbm>>, %arg4: memref<640x128xbf16, #tpu.memory_space<hbm>>, %arg5: memref<2x10240x128xbf16, #tpu.memory_space<hbm>>, %arg6: memref<10240x128xbf16, #tpu.memory_space<vmem_shared>>, %arg7: memref<100x100xi32, #tpu.memory_space<vmem>>, %arg8: memref<100x100xi32, #tpu.memory_space<vmem>>, %arg9: memref<100x128xbf16, #tpu.memory_space<vmem>>, %arg10: memref<100x128xbf16, #tpu.memory_space<vmem>>, %arg11: memref<!tpu.dma_semaphore, #tpu.memory_space<semaphore_mem>>, %arg12: memref<!tpu.dma_semaphore, #tpu.memory_space<semaphore_mem>>) attributes {dimension_semantics = [#tpu.dimension_semantics<core_parallel>, #tpu.dimension_semantics<subcore_parallel>], iteration_bounds = array<i64: 2, 16>, scalar_prefetch = 0 : i64, scratch_operands = 7 : i64, tpu.core_type = #tpu.core_type<sc_vector_subcore>, window_params = [{transform_indices = #map}, {transform_indices = #map1}, {transform_indices = #map1}, {transform_indices = #map2}]} {
    %mul3A = arith.constant 16 : i32
    %mul3A_0 = arith.muli %arg0, %mul3A : i32
    %add3A = arith.addi %mul3A_0, %arg1 : i32
    %run_scoped3A = arith.constant 0 : i32
    "tpu.region"() ({
      %run_scoped3A_42 = tpu.sem_alloc : memref<!tpu.dma_semaphore, #tpu.memory_space<semaphore_mem>>
      %dma_start3A_43 = arith.constant 0 : i32
      %dma_start3A_44 = arith.constant 0 : i32
      %dma_start3A_45 = tpu.memref_slice %arg2[%run_scoped3A, %add3A, %dma_start3A_43, %dma_start3A_44] : memref<2x32x100x100xi32, #tpu.memory_space<hbm>> -> memref<1x1x100x100xi32, #tpu.memory_space<hbm>>
      %dma_start3A_46 = tpu.memref_squeeze %dma_start3A_45 : memref<1x1x100x100xi32, #tpu.memory_space<hbm>> -> memref<100x100xi32, #tpu.memory_space<hbm>>
      %dma_start3A_47 = arith.constant 0 : i32
      %dma_start3A_48 = arith.constant 0 : i32
      %dma_start3A_49 = tpu.memref_slice %arg2[%run_scoped3A, %add3A, %dma_start3A_47, %dma_start3A_48] : memref<2x32x100x100xi32, #tpu.memory_space<hbm>> -> memref<1x1x100x100xi32, #tpu.memory_space<hbm>>
      %dma_start3A_50 = tpu.memref_squeeze %dma_start3A_49 : memref<1x1x100x100xi32, #tpu.memory_space<hbm>> -> memref<100x100xi32, #tpu.memory_space<hbm>>
      tpu.enqueue_dma source(%dma_start3A_50 : memref<100x100xi32, #tpu.memory_space<hbm>>) target(%arg7 : memref<100x100xi32, #tpu.memory_space<vmem>>) target_semaphore(%run_scoped3A_42 : memref<!tpu.dma_semaphore, #tpu.memory_space<semaphore_mem>>)
      %dma_wait3A_51 = arith.constant 0 : i32
      %dma_wait3A_52 = arith.constant 0 : i32
      %dma_wait3A_53 = tpu.memref_slice %arg2[%run_scoped3A, %add3A, %dma_wait3A_51, %dma_wait3A_52] : memref<2x32x100x100xi32, #tpu.memory_space<hbm>> -> memref<1x1x100x100xi32, #tpu.memory_space<hbm>>
      %dma_wait3A_54 = tpu.memref_squeeze %dma_wait3A_53 : memref<1x1x100x100xi32, #tpu.memory_space<hbm>> -> memref<100x100xi32, #tpu.memory_space<hbm>>
      %dma_wait3A_55 = arith.constant 0 : i32
      %dma_wait3A_56 = arith.constant 0 : i32
      %dma_wait3A_57 = tpu.memref_slice %arg2[%run_scoped3A, %add3A, %dma_wait3A_55, %dma_wait3A_56] : memref<2x32x100x100xi32, #tpu.memory_space<hbm>> -> memref<1x1x100x100xi32, #tpu.memory_space<hbm>>
      %dma_wait3A_58 = tpu.memref_squeeze %dma_wait3A_57 : memref<1x1x100x100xi32, #tpu.memory_space<hbm>> -> memref<100x100xi32, #tpu.memory_space<hbm>>
      tpu.wait_dma2 semaphore(%run_scoped3A_42 : memref<!tpu.dma_semaphore, #tpu.memory_space<semaphore_mem>>) src(%dma_wait3A_58 : memref<100x100xi32, #tpu.memory_space<hbm>>) dst(%arg7 : memref<100x100xi32, #tpu.memory_space<vmem>>)
      tpu.yield
    }) : () -> ()
    %run_scoped3A_1 = arith.constant 1 : i32
    "tpu.region"() ({
      %run_scoped3A_42 = tpu.sem_alloc : memref<!tpu.dma_semaphore, #tpu.memory_space<semaphore_mem>>
      %dma_start3A_43 = arith.constant 0 : i32
      %dma_start3A_44 = arith.constant 0 : i32
      %dma_start3A_45 = tpu.memref_slice %arg2[%run_scoped3A_1, %add3A, %dma_start3A_43, %dma_start3A_44] : memref<2x32x100x100xi32, #tpu.memory_space<hbm>> -> memref<1x1x100x100xi32, #tpu.memory_space<hbm>>
      %dma_start3A_46 = tpu.memref_squeeze %dma_start3A_45 : memref<1x1x100x100xi32, #tpu.memory_space<hbm>> -> memref<100x100xi32, #tpu.memory_space<hbm>>
      %dma_start3A_47 = arith.constant 0 : i32
      %dma_start3A_48 = arith.constant 0 : i32
      %dma_start3A_49 = tpu.memref_slice %arg2[%run_scoped3A_1, %add3A, %dma_start3A_47, %dma_start3A_48] : memref<2x32x100x100xi32, #tpu.memory_space<hbm>> -> memref<1x1x100x100xi32, #tpu.memory_space<hbm>>
      %dma_start3A_50 = tpu.memref_squeeze %dma_start3A_49 : memref<1x1x100x100xi32, #tpu.memory_space<hbm>> -> memref<100x100xi32, #tpu.memory_space<hbm>>
      tpu.enqueue_dma source(%dma_start3A_50 : memref<100x100xi32, #tpu.memory_space<hbm>>) target(%arg8 : memref<100x100xi32, #tpu.memory_space<vmem>>) target_semaphore(%run_scoped3A_42 : memref<!tpu.dma_semaphore, #tpu.memory_space<semaphore_mem>>)
      %dma_wait3A_51 = arith.constant 0 : i32
      %dma_wait3A_52 = arith.constant 0 : i32
      %dma_wait3A_53 = tpu.memref_slice %arg2[%run_scoped3A_1, %add3A, %dma_wait3A_51, %dma_wait3A_52] : memref<2x32x100x100xi32, #tpu.memory_space<hbm>> -> memref<1x1x100x100xi32, #tpu.memory_space<hbm>>
      %dma_wait3A_54 = tpu.memref_squeeze %dma_wait3A_53 : memref<1x1x100x100xi32, #tpu.memory_space<hbm>> -> memref<100x100xi32, #tpu.memory_space<hbm>>
      %dma_wait3A_55 = arith.constant 0 : i32
      %dma_wait3A_56 = arith.constant 0 : i32
      %dma_wait3A_57 = tpu.memref_slice %arg2[%run_scoped3A_1, %add3A, %dma_wait3A_55, %dma_wait3A_56] : memref<2x32x100x100xi32, #tpu.memory_space<hbm>> -> memref<1x1x100x100xi32, #tpu.memory_space<hbm>>
      %dma_wait3A_58 = tpu.memref_squeeze %dma_wait3A_57 : memref<1x1x100x100xi32, #tpu.memory_space<hbm>> -> memref<100x100xi32, #tpu.memory_space<hbm>>
      tpu.wait_dma2 semaphore(%run_scoped3A_42 : memref<!tpu.dma_semaphore, #tpu.memory_space<semaphore_mem>>) src(%dma_wait3A_58 : memref<100x100xi32, #tpu.memory_space<hbm>>) dst(%arg8 : memref<100x100xi32, #tpu.memory_space<vmem>>)
      tpu.yield
    }) : () -> ()
    %mul3A_2 = arith.constant 640 : i32
    %mul3A_3 = arith.muli %arg1, %mul3A_2 : i32
    "tpu.region"() ({
      %run_scoped3A_42 = tpu.sem_alloc : memref<!tpu.dma_semaphore, #tpu.memory_space<semaphore_mem>>
      %dma_start3A_43 = arith.constant 0 : i32
      %dma_start3A_44 = tpu.memref_slice %arg6[%mul3A_3, %dma_start3A_43] : memref<10240x128xbf16, #tpu.memory_space<vmem_shared>> -> memref<640x128xbf16, #tpu.memory_space<vmem_shared>>
      tpu.enqueue_dma source(%arg4 : memref<640x128xbf16, #tpu.memory_space<hbm>>) target(%dma_start3A_44 : memref<640x128xbf16, #tpu.memory_space<vmem_shared>>) target_semaphore(%run_scoped3A_42 : memref<!tpu.dma_semaphore, #tpu.memory_space<semaphore_mem>>)
      %dma_wait3A_45 = arith.constant 0 : i32
      %dma_wait3A_46 = tpu.memref_slice %arg6[%mul3A_3, %dma_wait3A_45] : memref<10240x128xbf16, #tpu.memory_space<vmem_shared>> -> memref<640x128xbf16, #tpu.memory_space<vmem_shared>>
      tpu.wait_dma2 semaphore(%run_scoped3A_42 : memref<!tpu.dma_semaphore, #tpu.memory_space<semaphore_mem>>) src(%arg4 : memref<640x128xbf16, #tpu.memory_space<hbm>>) dst(%dma_wait3A_46 : memref<640x128xbf16, #tpu.memory_space<vmem_shared>>)
      tpu.yield
    }) : () -> ()
    %barrier3A = arith.constant 0 : index
    tpu.barrier barrier_id(%barrier3A)
    %dma_start3A = arith.constant 0 : i32
    %dma_start3A_4 = arith.constant 0 : i32
    %dma_start3A_5 = tpu.memref_slice %arg7[%dma_start3A, %dma_start3A_4] : memref<100x100xi32, #tpu.memory_space<vmem>> -> memref<1x100xi32, #tpu.memory_space<vmem>>
    %dma_start3A_6 = tpu.memref_squeeze %dma_start3A_5 : memref<1x100xi32, #tpu.memory_space<vmem>> -> memref<100xi32, #tpu.memory_space<vmem>>
    %dma_start3A_7 = arith.constant 0 : i32
    %dma_start3A_8 = arith.constant 0 : i32
    %dma_start3A_9 = tpu.memref_slice %arg3[%dma_start3A_7, %dma_start3A_8] : memref<10000x128xbf16, #tpu.memory_space<hbm>> -> memref<10000x128xbf16, #tpu.memory_space<hbm>>
    tpu.enqueue_indirect_dma source(%dma_start3A_9 : memref<10000x128xbf16, #tpu.memory_space<hbm>>) target(%arg9 : memref<100x128xbf16, #tpu.memory_space<vmem>>) offsets(%dma_start3A_6 : memref<100xi32, #tpu.memory_space<vmem>>) semaphore(%arg11 : memref<!tpu.dma_semaphore, #tpu.memory_space<semaphore_mem>>)
    %dma_start3A_10 = arith.constant 1 : i32
    %dma_start3A_11 = arith.constant 0 : i32
    %dma_start3A_12 = tpu.memref_slice %arg7[%dma_start3A_10, %dma_start3A_11] : memref<100x100xi32, #tpu.memory_space<vmem>> -> memref<1x100xi32, #tpu.memory_space<vmem>>
    %dma_start3A_13 = tpu.memref_squeeze %dma_start3A_12 : memref<1x100xi32, #tpu.memory_space<vmem>> -> memref<100xi32, #tpu.memory_space<vmem>>
    %dma_start3A_14 = arith.constant 0 : i32
    %dma_start3A_15 = arith.constant 0 : i32
    %dma_start3A_16 = tpu.memref_slice %arg3[%dma_start3A_14, %dma_start3A_15] : memref<10000x128xbf16, #tpu.memory_space<hbm>> -> memref<10000x128xbf16, #tpu.memory_space<hbm>>
    tpu.enqueue_indirect_dma source(%dma_start3A_16 : memref<10000x128xbf16, #tpu.memory_space<hbm>>) target(%arg10 : memref<100x128xbf16, #tpu.memory_space<vmem>>) offsets(%dma_start3A_13 : memref<100xi32, #tpu.memory_space<vmem>>) semaphore(%arg12 : memref<!tpu.dma_semaphore, #tpu.memory_space<semaphore_mem>>)
    %scan3A = arith.constant 0 : i32
    %scan3A_17 = arith.constant 0 : i32
    %scan3A_18 = arith.constant 49 : i32
    %scan3A_19 = arith.addi %scan3A_17, %scan3A_18 : i32
    %scan3A_20 = arith.constant 1 : i32
    scf.for %scan3A_42 = %scan3A_17 to %scan3A_19 step %scan3A_20  : i32 {
      %mul3A_43 = arith.constant 2 : i32
      %mul3A_44 = arith.muli %scan3A_42, %mul3A_43 : i32
      %add3A_45 = arith.constant 0 : i32
      %add3A_46 = arith.addi %mul3A_44, %add3A_45 : i32
      %dma_wait3A_47 = arith.constant 0 : i32
      %dma_wait3A_48 = tpu.memref_slice %arg7[%add3A_46, %dma_wait3A_47] : memref<100x100xi32, #tpu.memory_space<vmem>> -> memref<1x100xi32, #tpu.memory_space<vmem>>
      %dma_wait3A_49 = tpu.memref_squeeze %dma_wait3A_48 : memref<1x100xi32, #tpu.memory_space<vmem>> -> memref<100xi32, #tpu.memory_space<vmem>>
      %dma_wait3A_50 = arith.constant 0 : i32
      %dma_wait3A_51 = arith.constant 0 : i32
      %dma_wait3A_52 = tpu.memref_slice %arg3[%dma_wait3A_50, %dma_wait3A_51] : memref<10000x128xbf16, #tpu.memory_space<hbm>> -> memref<10000x128xbf16, #tpu.memory_space<hbm>>
      tpu.wait_indirect_dma semaphore(%arg11 : memref<!tpu.dma_semaphore, #tpu.memory_space<semaphore_mem>>) src(%dma_wait3A_52 : memref<10000x128xbf16, #tpu.memory_space<hbm>>) dst(%arg9 : memref<100x128xbf16, #tpu.memory_space<vmem>>)
      "tpu.region"() ({
        %run_scoped3A_81 = tpu.sem_alloc : memref<!tpu.dma_semaphore, #tpu.memory_space<semaphore_mem>>
        %dma_start3A_82 = arith.constant 0 : i32
        %dma_start3A_83 = tpu.memref_slice %arg8[%add3A_46, %dma_start3A_82] : memref<100x100xi32, #tpu.memory_space<vmem>> -> memref<1x100xi32, #tpu.memory_space<vmem>>
        %dma_start3A_84 = tpu.memref_squeeze %dma_start3A_83 : memref<1x100xi32, #tpu.memory_space<vmem>> -> memref<100xi32, #tpu.memory_space<vmem>>
        %dma_start3A_85 = arith.constant 0 : i32
        %dma_start3A_86 = arith.constant 0 : i32
        %dma_start3A_87 = tpu.memref_slice %arg6[%dma_start3A_85, %dma_start3A_86] : memref<10240x128xbf16, #tpu.memory_space<vmem_shared>> -> memref<10240x128xbf16, #tpu.memory_space<vmem_shared>>
        tpu.enqueue_indirect_dma source(%arg9 : memref<100x128xbf16, #tpu.memory_space<vmem>>) target(%dma_start3A_87 : memref<10240x128xbf16, #tpu.memory_space<vmem_shared>>) offsets(%dma_start3A_84 : memref<100xi32, #tpu.memory_space<vmem>>) semaphore(%run_scoped3A_81 : memref<!tpu.dma_semaphore, #tpu.memory_space<semaphore_mem>>) {add = true}
        %dma_wait3A_88 = arith.constant 0 : i32
        %dma_wait3A_89 = tpu.memref_slice %arg8[%add3A_46, %dma_wait3A_88] : memref<100x100xi32, #tpu.memory_space<vmem>> -> memref<1x100xi32, #tpu.memory_space<vmem>>
        %dma_wait3A_90 = tpu.memref_squeeze %dma_wait3A_89 : memref<1x100xi32, #tpu.memory_space<vmem>> -> memref<100xi32, #tpu.memory_space<vmem>>
        %dma_wait3A_91 = arith.constant 0 : i32
        %dma_wait3A_92 = arith.constant 0 : i32
        %dma_wait3A_93 = tpu.memref_slice %arg6[%dma_wait3A_91, %dma_wait3A_92] : memref<10240x128xbf16, #tpu.memory_space<vmem_shared>> -> memref<10240x128xbf16, #tpu.memory_space<vmem_shared>>
        tpu.wait_indirect_dma semaphore(%run_scoped3A_81 : memref<!tpu.dma_semaphore, #tpu.memory_space<semaphore_mem>>) src(%arg9 : memref<100x128xbf16, #tpu.memory_space<vmem>>) dst(%dma_wait3A_93 : memref<10240x128xbf16, #tpu.memory_space<vmem_shared>>)
        tpu.yield
      }) : () -> ()
      %add3A_53 = arith.constant 2 : i32
      %add3A_54 = arith.addi %mul3A_44, %add3A_53 : i32
      %add3A_55 = arith.constant 0 : i32
      %add3A_56 = arith.addi %add3A_54, %add3A_55 : i32
      %dma_start3A_57 = arith.constant 0 : i32
      %dma_start3A_58 = tpu.memref_slice %arg7[%add3A_56, %dma_start3A_57] : memref<100x100xi32, #tpu.memory_space<vmem>> -> memref<1x100xi32, #tpu.memory_space<vmem>>
      %dma_start3A_59 = tpu.memref_squeeze %dma_start3A_58 : memref<1x100xi32, #tpu.memory_space<vmem>> -> memref<100xi32, #tpu.memory_space<vmem>>
      %dma_start3A_60 = arith.constant 0 : i32
      %dma_start3A_61 = arith.constant 0 : i32
      %dma_start3A_62 = tpu.memref_slice %arg3[%dma_start3A_60, %dma_start3A_61] : memref<10000x128xbf16, #tpu.memory_space<hbm>> -> memref<10000x128xbf16, #tpu.memory_space<hbm>>
      tpu.enqueue_indirect_dma source(%dma_start3A_62 : memref<10000x128xbf16, #tpu.memory_space<hbm>>) target(%arg9 : memref<100x128xbf16, #tpu.memory_space<vmem>>) offsets(%dma_start3A_59 : memref<100xi32, #tpu.memory_space<vmem>>) semaphore(%arg11 : memref<!tpu.dma_semaphore, #tpu.memory_space<semaphore_mem>>)
      %add3A_63 = arith.constant 1 : i32
      %add3A_64 = arith.addi %mul3A_44, %add3A_63 : i32
      %dma_wait3A_65 = arith.constant 0 : i32
      %dma_wait3A_66 = tpu.memref_slice %arg7[%add3A_64, %dma_wait3A_65] : memref<100x100xi32, #tpu.memory_space<vmem>> -> memref<1x100xi32, #tpu.memory_space<vmem>>
      %dma_wait3A_67 = tpu.memref_squeeze %dma_wait3A_66 : memref<1x100xi32, #tpu.memory_space<vmem>> -> memref<100xi32, #tpu.memory_space<vmem>>
      %dma_wait3A_68 = arith.constant 0 : i32
      %dma_wait3A_69 = arith.constant 0 : i32
      %dma_wait3A_70 = tpu.memref_slice %arg3[%dma_wait3A_68, %dma_wait3A_69] : memref<10000x128xbf16, #tpu.memory_space<hbm>> -> memref<10000x128xbf16, #tpu.memory_space<hbm>>
      tpu.wait_indirect_dma semaphore(%arg12 : memref<!tpu.dma_semaphore, #tpu.memory_space<semaphore_mem>>) src(%dma_wait3A_70 : memref<10000x128xbf16, #tpu.memory_space<hbm>>) dst(%arg10 : memref<100x128xbf16, #tpu.memory_space<vmem>>)
      "tpu.region"() ({
        %run_scoped3A_81 = tpu.sem_alloc : memref<!tpu.dma_semaphore, #tpu.memory_space<semaphore_mem>>
        %dma_start3A_82 = arith.constant 0 : i32
        %dma_start3A_83 = tpu.memref_slice %arg8[%add3A_64, %dma_start3A_82] : memref<100x100xi32, #tpu.memory_space<vmem>> -> memref<1x100xi32, #tpu.memory_space<vmem>>
        %dma_start3A_84 = tpu.memref_squeeze %dma_start3A_83 : memref<1x100xi32, #tpu.memory_space<vmem>> -> memref<100xi32, #tpu.memory_space<vmem>>
        %dma_start3A_85 = arith.constant 0 : i32
        %dma_start3A_86 = arith.constant 0 : i32
        %dma_start3A_87 = tpu.memref_slice %arg6[%dma_start3A_85, %dma_start3A_86] : memref<10240x128xbf16, #tpu.memory_space<vmem_shared>> -> memref<10240x128xbf16, #tpu.memory_space<vmem_shared>>
        tpu.enqueue_indirect_dma source(%arg10 : memref<100x128xbf16, #tpu.memory_space<vmem>>) target(%dma_start3A_87 : memref<10240x128xbf16, #tpu.memory_space<vmem_shared>>) offsets(%dma_start3A_84 : memref<100xi32, #tpu.memory_space<vmem>>) semaphore(%run_scoped3A_81 : memref<!tpu.dma_semaphore, #tpu.memory_space<semaphore_mem>>) {add = true}
        %dma_wait3A_88 = arith.constant 0 : i32
        %dma_wait3A_89 = tpu.memref_slice %arg8[%add3A_64, %dma_wait3A_88] : memref<100x100xi32, #tpu.memory_space<vmem>> -> memref<1x100xi32, #tpu.memory_space<vmem>>
        %dma_wait3A_90 = tpu.memref_squeeze %dma_wait3A_89 : memref<1x100xi32, #tpu.memory_space<vmem>> -> memref<100xi32, #tpu.memory_space<vmem>>
        %dma_wait3A_91 = arith.constant 0 : i32
        %dma_wait3A_92 = arith.constant 0 : i32
        %dma_wait3A_93 = tpu.memref_slice %arg6[%dma_wait3A_91, %dma_wait3A_92] : memref<10240x128xbf16, #tpu.memory_space<vmem_shared>> -> memref<10240x128xbf16, #tpu.memory_space<vmem_shared>>
        tpu.wait_indirect_dma semaphore(%run_scoped3A_81 : memref<!tpu.dma_semaphore, #tpu.memory_space<semaphore_mem>>) src(%arg10 : memref<100x128xbf16, #tpu.memory_space<vmem>>) dst(%dma_wait3A_93 : memref<10240x128xbf16, #tpu.memory_space<vmem_shared>>)
        tpu.yield
      }) : () -> ()
      %add3A_71 = arith.constant 2 : i32
      %add3A_72 = arith.addi %mul3A_44, %add3A_71 : i32
      %add3A_73 = arith.constant 1 : i32
      %add3A_74 = arith.addi %add3A_72, %add3A_73 : i32
      %dma_start3A_75 = arith.constant 0 : i32
      %dma_start3A_76 = tpu.memref_slice %arg7[%add3A_74, %dma_start3A_75] : memref<100x100xi32, #tpu.memory_space<vmem>> -> memref<1x100xi32, #tpu.memory_space<vmem>>
      %dma_start3A_77 = tpu.memref_squeeze %dma_start3A_76 : memref<1x100xi32, #tpu.memory_space<vmem>> -> memref<100xi32, #tpu.memory_space<vmem>>
      %dma_start3A_78 = arith.constant 0 : i32
      %dma_start3A_79 = arith.constant 0 : i32
      %dma_start3A_80 = tpu.memref_slice %arg3[%dma_start3A_78, %dma_start3A_79] : memref<10000x128xbf16, #tpu.memory_space<hbm>> -> memref<10000x128xbf16, #tpu.memory_space<hbm>>
      tpu.enqueue_indirect_dma source(%dma_start3A_80 : memref<10000x128xbf16, #tpu.memory_space<hbm>>) target(%arg10 : memref<100x128xbf16, #tpu.memory_space<vmem>>) offsets(%dma_start3A_77 : memref<100xi32, #tpu.memory_space<vmem>>) semaphore(%arg12 : memref<!tpu.dma_semaphore, #tpu.memory_space<semaphore_mem>>)
    }
    %scan3A_21 = arith.constant 49 : i32
    %dma_wait3A = arith.constant 98 : i32
    %dma_wait3A_22 = arith.constant 0 : i32
    %dma_wait3A_23 = tpu.memref_slice %arg7[%dma_wait3A, %dma_wait3A_22] : memref<100x100xi32, #tpu.memory_space<vmem>> -> memref<1x100xi32, #tpu.memory_space<vmem>>
    %dma_wait3A_24 = tpu.memref_squeeze %dma_wait3A_23 : memref<1x100xi32, #tpu.memory_space<vmem>> -> memref<100xi32, #tpu.memory_space<vmem>>
    %dma_wait3A_25 = arith.constant 0 : i32
    %dma_wait3A_26 = arith.constant 0 : i32
    %dma_wait3A_27 = tpu.memref_slice %arg3[%dma_wait3A_25, %dma_wait3A_26] : memref<10000x128xbf16, #tpu.memory_space<hbm>> -> memref<10000x128xbf16, #tpu.memory_space<hbm>>
    tpu.wait_indirect_dma semaphore(%arg11 : memref<!tpu.dma_semaphore, #tpu.memory_space<semaphore_mem>>) src(%dma_wait3A_27 : memref<10000x128xbf16, #tpu.memory_space<hbm>>) dst(%arg9 : memref<100x128xbf16, #tpu.memory_space<vmem>>)
    %run_scoped3A_28 = arith.constant 98 : i32
    "tpu.region"() ({
      %run_scoped3A_42 = tpu.sem_alloc : memref<!tpu.dma_semaphore, #tpu.memory_space<semaphore_mem>>
      %dma_start3A_43 = arith.constant 0 : i32
      %dma_start3A_44 = tpu.memref_slice %arg8[%run_scoped3A_28, %dma_start3A_43] : memref<100x100xi32, #tpu.memory_space<vmem>> -> memref<1x100xi32, #tpu.memory_space<vmem>>
      %dma_start3A_45 = tpu.memref_squeeze %dma_start3A_44 : memref<1x100xi32, #tpu.memory_space<vmem>> -> memref<100xi32, #tpu.memory_space<vmem>>
      %dma_start3A_46 = arith.constant 0 : i32
      %dma_start3A_47 = arith.constant 0 : i32
      %dma_start3A_48 = tpu.memref_slice %arg6[%dma_start3A_46, %dma_start3A_47] : memref<10240x128xbf16, #tpu.memory_space<vmem_shared>> -> memref<10240x128xbf16, #tpu.memory_space<vmem_shared>>
      tpu.enqueue_indirect_dma source(%arg9 : memref<100x128xbf16, #tpu.memory_space<vmem>>) target(%dma_start3A_48 : memref<10240x128xbf16, #tpu.memory_space<vmem_shared>>) offsets(%dma_start3A_45 : memref<100xi32, #tpu.memory_space<vmem>>) semaphore(%run_scoped3A_42 : memref<!tpu.dma_semaphore, #tpu.memory_space<semaphore_mem>>) {add = true}
      %dma_wait3A_49 = arith.constant 0 : i32
      %dma_wait3A_50 = tpu.memref_slice %arg8[%run_scoped3A_28, %dma_wait3A_49] : memref<100x100xi32, #tpu.memory_space<vmem>> -> memref<1x100xi32, #tpu.memory_space<vmem>>
      %dma_wait3A_51 = tpu.memref_squeeze %dma_wait3A_50 : memref<1x100xi32, #tpu.memory_space<vmem>> -> memref<100xi32, #tpu.memory_space<vmem>>
      %dma_wait3A_52 = arith.constant 0 : i32
      %dma_wait3A_53 = arith.constant 0 : i32
      %dma_wait3A_54 = tpu.memref_slice %arg6[%dma_wait3A_52, %dma_wait3A_53] : memref<10240x128xbf16, #tpu.memory_space<vmem_shared>> -> memref<10240x128xbf16, #tpu.memory_space<vmem_shared>>
      tpu.wait_indirect_dma semaphore(%run_scoped3A_42 : memref<!tpu.dma_semaphore, #tpu.memory_space<semaphore_mem>>) src(%arg9 : memref<100x128xbf16, #tpu.memory_space<vmem>>) dst(%dma_wait3A_54 : memref<10240x128xbf16, #tpu.memory_space<vmem_shared>>)
      tpu.yield
    }) : () -> ()
    %dma_wait3A_29 = arith.constant 99 : i32
    %dma_wait3A_30 = arith.constant 0 : i32
    %dma_wait3A_31 = tpu.memref_slice %arg7[%dma_wait3A_29, %dma_wait3A_30] : memref<100x100xi32, #tpu.memory_space<vmem>> -> memref<1x100xi32, #tpu.memory_space<vmem>>
    %dma_wait3A_32 = tpu.memref_squeeze %dma_wait3A_31 : memref<1x100xi32, #tpu.memory_space<vmem>> -> memref<100xi32, #tpu.memory_space<vmem>>
    %dma_wait3A_33 = arith.constant 0 : i32
    %dma_wait3A_34 = arith.constant 0 : i32
    %dma_wait3A_35 = tpu.memref_slice %arg3[%dma_wait3A_33, %dma_wait3A_34] : memref<10000x128xbf16, #tpu.memory_space<hbm>> -> memref<10000x128xbf16, #tpu.memory_space<hbm>>
    tpu.wait_indirect_dma semaphore(%arg12 : memref<!tpu.dma_semaphore, #tpu.memory_space<semaphore_mem>>) src(%dma_wait3A_35 : memref<10000x128xbf16, #tpu.memory_space<hbm>>) dst(%arg10 : memref<100x128xbf16, #tpu.memory_space<vmem>>)
    %run_scoped3A_36 = arith.constant 99 : i32
    "tpu.region"() ({
      %run_scoped3A_42 = tpu.sem_alloc : memref<!tpu.dma_semaphore, #tpu.memory_space<semaphore_mem>>
      %dma_start3A_43 = arith.constant 0 : i32
      %dma_start3A_44 = tpu.memref_slice %arg8[%run_scoped3A_36, %dma_start3A_43] : memref<100x100xi32, #tpu.memory_space<vmem>> -> memref<1x100xi32, #tpu.memory_space<vmem>>
      %dma_start3A_45 = tpu.memref_squeeze %dma_start3A_44 : memref<1x100xi32, #tpu.memory_space<vmem>> -> memref<100xi32, #tpu.memory_space<vmem>>
      %dma_start3A_46 = arith.constant 0 : i32
      %dma_start3A_47 = arith.constant 0 : i32
      %dma_start3A_48 = tpu.memref_slice %arg6[%dma_start3A_46, %dma_start3A_47] : memref<10240x128xbf16, #tpu.memory_space<vmem_shared>> -> memref<10240x128xbf16, #tpu.memory_space<vmem_shared>>
      tpu.enqueue_indirect_dma source(%arg10 : memref<100x128xbf16, #tpu.memory_space<vmem>>) target(%dma_start3A_48 : memref<10240x128xbf16, #tpu.memory_space<vmem_shared>>) offsets(%dma_start3A_45 : memref<100xi32, #tpu.memory_space<vmem>>) semaphore(%run_scoped3A_42 : memref<!tpu.dma_semaphore, #tpu.memory_space<semaphore_mem>>) {add = true}
      %dma_wait3A_49 = arith.constant 0 : i32
      %dma_wait3A_50 = tpu.memref_slice %arg8[%run_scoped3A_36, %dma_wait3A_49] : memref<100x100xi32, #tpu.memory_space<vmem>> -> memref<1x100xi32, #tpu.memory_space<vmem>>
      %dma_wait3A_51 = tpu.memref_squeeze %dma_wait3A_50 : memref<1x100xi32, #tpu.memory_space<vmem>> -> memref<100xi32, #tpu.memory_space<vmem>>
      %dma_wait3A_52 = arith.constant 0 : i32
      %dma_wait3A_53 = arith.constant 0 : i32
      %dma_wait3A_54 = tpu.memref_slice %arg6[%dma_wait3A_52, %dma_wait3A_53] : memref<10240x128xbf16, #tpu.memory_space<vmem_shared>> -> memref<10240x128xbf16, #tpu.memory_space<vmem_shared>>
      tpu.wait_indirect_dma semaphore(%run_scoped3A_42 : memref<!tpu.dma_semaphore, #tpu.memory_space<semaphore_mem>>) src(%arg10 : memref<100x128xbf16, #tpu.memory_space<vmem>>) dst(%dma_wait3A_54 : memref<10240x128xbf16, #tpu.memory_space<vmem_shared>>)
      tpu.yield
    }) : () -> ()
    %barrier3A_37 = arith.constant 0 : index
    tpu.barrier barrier_id(%barrier3A_37)
    %mul3A_38 = arith.constant 640 : i32
    %mul3A_39 = arith.muli %arg1, %mul3A_38 : i32
    %mul3A_40 = arith.constant 640 : i32
    %mul3A_41 = arith.muli %arg1, %mul3A_40 : i32
    "tpu.region"() ({
      %run_scoped3A_42 = tpu.sem_alloc : memref<!tpu.dma_semaphore, #tpu.memory_space<semaphore_mem>>
      %dma_start3A_43 = arith.constant 0 : i32
      %dma_start3A_44 = tpu.memref_slice %arg5[%arg0, %mul3A_41, %dma_start3A_43] : memref<2x10240x128xbf16, #tpu.memory_space<hbm>> -> memref<1x640x128xbf16, #tpu.memory_space<hbm>>
      %dma_start3A_45 = tpu.memref_squeeze %dma_start3A_44 : memref<1x640x128xbf16, #tpu.memory_space<hbm>> -> memref<640x128xbf16, #tpu.memory_space<hbm>>
      %dma_start3A_46 = arith.constant 0 : i32
      %dma_start3A_47 = tpu.memref_slice %arg6[%mul3A_39, %dma_start3A_46] : memref<10240x128xbf16, #tpu.memory_space<vmem_shared>> -> memref<640x128xbf16, #tpu.memory_space<vmem_shared>>
      tpu.enqueue_dma source(%dma_start3A_47 : memref<640x128xbf16, #tpu.memory_space<vmem_shared>>) target(%dma_start3A_45 : memref<640x128xbf16, #tpu.memory_space<hbm>>) target_semaphore(%run_scoped3A_42 : memref<!tpu.dma_semaphore, #tpu.memory_space<semaphore_mem>>)
      %dma_wait3A_48 = arith.constant 0 : i32
      %dma_wait3A_49 = tpu.memref_slice %arg5[%arg0, %mul3A_41, %dma_wait3A_48] : memref<2x10240x128xbf16, #tpu.memory_space<hbm>> -> memref<1x640x128xbf16, #tpu.memory_space<hbm>>
      %dma_wait3A_50 = tpu.memref_squeeze %dma_wait3A_49 : memref<1x640x128xbf16, #tpu.memory_space<hbm>> -> memref<640x128xbf16, #tpu.memory_space<hbm>>
      %dma_wait3A_51 = arith.constant 0 : i32
      %dma_wait3A_52 = tpu.memref_slice %arg6[%mul3A_39, %dma_wait3A_51] : memref<10240x128xbf16, #tpu.memory_space<vmem_shared>> -> memref<640x128xbf16, #tpu.memory_space<vmem_shared>>
      tpu.wait_dma2 semaphore(%run_scoped3A_42 : memref<!tpu.dma_semaphore, #tpu.memory_space<semaphore_mem>>) src(%dma_wait3A_52 : memref<640x128xbf16, #tpu.memory_space<vmem_shared>>) dst(%dma_wait3A_50 : memref<640x128xbf16, #tpu.memory_space<hbm>>)
      tpu.yield
    }) : () -> ()
    return
  }
}

module attributes {stable_mosaic.version = 14 : i64} {
  func.func @body(%arg0: i32, %arg1: memref<2x10240x16xf32, #tpu.memory_space<vmem>>, %arg2: memref<1000x128xf32, #tpu.memory_space<vmem>>, %arg3: memref<1000x128xbf16, #tpu.memory_space<vmem>>) attributes {dimension_semantics = [#tpu.dimension_semantics<arbitrary>], iteration_bounds = array<i64: 10>, scalar_prefetch = 0 : i64, scratch_operands = 0 : i64, tpu.core_type = #tpu.core_type<tc>, window_params = [{pipeline_mode = #tpu.pipeline_mode<synchronous>, transform_indices = @transform_0, window_bounds = array<i64: 2, 10240, 16>}, {transform_indices = @transform_1, window_bounds = array<i64: 1000, 128>}, {transform_indices = @transform_2, window_bounds = array<i64: 1000, 128>}]} {
    %get3A = arith.constant 0 : index
    %get3A_0 = arith.constant 0 : index
    %get3A_1 = vector.load %arg2[%get3A, %get3A_0] : memref<1000x128xf32, #tpu.memory_space<vmem>>, vector<1000x128xf32>
    %mul3A = arith.constant 1000 : i32
    %mul3A_2 = arith.muli %arg0, %mul3A : i32
    %get3A_3 = arith.constant 0 : index
    %get3A_4 = arith.index_cast %mul3A_2 : i32 to index
    %get3A_5 = arith.constant 0 : index
    %get3A_6 = vector.load %arg1[%get3A_3, %get3A_4, %get3A_5] : memref<2x10240x16xf32, #tpu.memory_space<vmem>>, vector<1x1000x1xf32>
    %get3A_7 = vector.shape_cast %get3A_6 : vector<1x1000x1xf32> to vector<1000x1xf32>
    %get3A_8 = arith.constant 1 : index
    %get3A_9 = arith.index_cast %mul3A_2 : i32 to index
    %get3A_10 = arith.constant 0 : index
    %get3A_11 = vector.load %arg1[%get3A_8, %get3A_9, %get3A_10] : memref<2x10240x16xf32, #tpu.memory_space<vmem>>, vector<1x1000x1xf32>
    %get3A_12 = vector.shape_cast %get3A_11 : vector<1x1000x1xf32> to vector<1000x1xf32>
    %add3A = arith.addf %get3A_7, %get3A_12 : vector<1000x1xf32>
    %add3A_13 = arith.constant 1.000000e+00 : f32
    %add3A_14 = vector.broadcast %add3A_13 : f32 to vector<1000x1xf32>
    %add3A_15 = arith.addf %add3A, %add3A_14 : vector<1000x1xf32>
    %rsqrt3A = math.rsqrt %add3A_15 : vector<1000x1xf32>
    %mul3A_16 = vector.broadcast %rsqrt3A : vector<1000x1xf32> to vector<1000x128xf32>
    %mul3A_17 = arith.mulf %get3A_1, %mul3A_16 : vector<1000x128xf32>
    %convert_element_type3A = arith.truncf %mul3A_17 : vector<1000x128xf32> to vector<1000x128xbf16>
    %swap3A = arith.constant 0 : index
    %swap3A_18 = arith.constant 0 : index
    %swap3A_19 = vector.load %arg3[%swap3A, %swap3A_18] : memref<1000x128xbf16, #tpu.memory_space<vmem>>, vector<1000x128xbf16>
    tpu.vector_store %arg3[%swap3A, %swap3A_18], %convert_element_type3A {strides = array<i32>} : memref<1000x128xbf16, #tpu.memory_space<vmem>>, vector<1000x128xbf16>,
    return
  }
  func.func @transform_0(%arg0: i32) -> (i32, i32, i32) {
    %c0_i32 = arith.constant 0 : i32
    %c0_i32_0 = arith.constant 0 : i32
    %c0_i32_1 = arith.constant 0 : i32
    %c0_i32_2 = arith.constant 0 : i32
    return %c0_i32, %c0_i32_0, %c0_i32_1 : i32, i32, i32
  }
  func.func @transform_1(%arg0: i32) -> (i32, i32) {
    %c0_i32 = arith.constant 0 : i32
    %c0_i32_0 = arith.constant 0 : i32
    return %arg0, %c0_i32 : i32, i32
  }
  func.func @transform_2(%arg0: i32) -> (i32, i32) {
    %c0_i32 = arith.constant 0 : i32
    %c0_i32_0 = arith.constant 0 : i32
    return %arg0, %c0_i32 : i32, i32
  }
}

module attributes {stable_mosaic.version = 14 : i64} {
  func.func @body(%arg0: i32, %arg1: memref<2x10240x16xf32, #tpu.memory_space<vmem>>, %arg2: memref<2x1000x128xbf16, #tpu.memory_space<vmem>>, %arg3: memref<1000x128xbf16, #tpu.memory_space<vmem>>, %arg4: memref<128x256xf32, #tpu.memory_space<vmem>>, %arg5: memref<1x256xf32, #tpu.memory_space<vmem>>, %arg6: memref<256x64xf32, #tpu.memory_space<vmem>>, %arg7: memref<1000x64xbf16, #tpu.memory_space<vmem>>) attributes {dimension_semantics = [#tpu.dimension_semantics<arbitrary>], iteration_bounds = array<i64: 10>, scalar_prefetch = 0 : i64, scratch_operands = 0 : i64, tpu.core_type = #tpu.core_type<tc>, window_params = [{pipeline_mode = #tpu.pipeline_mode<synchronous>, transform_indices = @transform_0, window_bounds = array<i64: 2, 10240, 16>}, {transform_indices = @transform_1, window_bounds = array<i64: 2, 1000, 128>}, {transform_indices = @transform_2, window_bounds = array<i64: 1000, 128>}, {pipeline_mode = #tpu.pipeline_mode<synchronous>, transform_indices = @transform_3, window_bounds = array<i64: 128, 256>}, {pipeline_mode = #tpu.pipeline_mode<synchronous>, transform_indices = @transform_4, window_bounds = array<i64: 1, 256>}, {pipeline_mode = #tpu.pipeline_mode<synchronous>, transform_indices = @transform_5, window_bounds = array<i64: 256, 64>}, {transform_indices = @transform_6, window_bounds = array<i64: 1000, 64>}]} {
    %mul3A = arith.constant 1000 : i32
    %mul3A_0 = arith.muli %arg0, %mul3A : i32
    %get3A = arith.constant 0 : index
    %get3A_1 = arith.index_cast %mul3A_0 : i32 to index
    %get3A_2 = arith.constant 0 : index
    %get3A_3 = vector.load %arg1[%get3A, %get3A_1, %get3A_2] : memref<2x10240x16xf32, #tpu.memory_space<vmem>>, vector<1x1000x1xf32>
    %get3A_4 = vector.shape_cast %get3A_3 : vector<1x1000x1xf32> to vector<1000x1xf32>
    %get3A_5 = arith.constant 1 : index
    %get3A_6 = arith.index_cast %mul3A_0 : i32 to index
    %get3A_7 = arith.constant 0 : index
    %get3A_8 = vector.load %arg1[%get3A_5, %get3A_6, %get3A_7] : memref<2x10240x16xf32, #tpu.memory_space<vmem>>, vector<1x1000x1xf32>
    %get3A_9 = vector.shape_cast %get3A_8 : vector<1x1000x1xf32> to vector<1000x1xf32>
    %add3A = arith.addf %get3A_4, %get3A_9 : vector<1000x1xf32>
    %add3A_10 = arith.constant 1.000000e+00 : f32
    %add3A_11 = vector.broadcast %add3A_10 : f32 to vector<1000x1xf32>
    %add3A_12 = arith.addf %add3A, %add3A_11 : vector<1000x1xf32>
    %rsqrt3A = math.rsqrt %add3A_12 : vector<1000x1xf32>
    %get3A_13 = arith.constant 0 : index
    %get3A_14 = arith.constant 0 : index
    %get3A_15 = arith.constant 0 : index
    %get3A_16 = vector.load %arg2[%get3A_13, %get3A_14, %get3A_15] : memref<2x1000x128xbf16, #tpu.memory_space<vmem>>, vector<1x1000x128xbf16>
    %get3A_17 = vector.shape_cast %get3A_16 : vector<1x1000x128xbf16> to vector<1000x128xbf16>
    %convert_element_type3A = arith.extf %get3A_17 : vector<1000x128xbf16> to vector<1000x128xf32>
    %get3A_18 = arith.constant 1 : index
    %get3A_19 = arith.constant 0 : index
    %get3A_20 = arith.constant 0 : index
    %get3A_21 = vector.load %arg2[%get3A_18, %get3A_19, %get3A_20] : memref<2x1000x128xbf16, #tpu.memory_space<vmem>>, vector<1x1000x128xbf16>
    %get3A_22 = vector.shape_cast %get3A_21 : vector<1x1000x128xbf16> to vector<1000x128xbf16>
    %convert_element_type3A_23 = arith.extf %get3A_22 : vector<1000x128xbf16> to vector<1000x128xf32>
    %add3A_24 = arith.addf %convert_element_type3A, %convert_element_type3A_23 : vector<1000x128xf32>
    %get3A_25 = arith.constant 0 : index
    %get3A_26 = arith.constant 0 : index
    %get3A_27 = vector.load %arg3[%get3A_25, %get3A_26] : memref<1000x128xbf16, #tpu.memory_space<vmem>>, vector<1000x128xbf16>
    %convert_element_type3A_28 = arith.extf %get3A_27 : vector<1000x128xbf16> to vector<1000x128xf32>
    %add3A_29 = arith.addf %add3A_24, %convert_element_type3A_28 : vector<1000x128xf32>
    %mul3A_30 = vector.broadcast %rsqrt3A : vector<1000x1xf32> to vector<1000x128xf32>
    %mul3A_31 = arith.mulf %add3A_29, %mul3A_30 : vector<1000x128xf32>
    %get3A_32 = arith.constant 0 : index
    %get3A_33 = arith.constant 0 : index
    %get3A_34 = vector.load %arg4[%get3A_32, %get3A_33] : memref<128x256xf32, #tpu.memory_space<vmem>>, vector<128x256xf32>
    %dot_general3A = arith.constant dense<0.000000e+00> : vector<1000x256xf32>
    %dot_general3A_35 = tpu.matmul %mul3A_31, %get3A_34, %dot_general3A {dimension_numbers = #tpu.dot_dimension_numbers<[1], [0], [0], [1], [0, 0, 1, 1], [], []>, transpose_lhs_hint = false} : vector<1000x128xf32>, vector<128x256xf32>, vector<1000x256xf32> -> vector<1000x256xf32>
    %get3A_36 = arith.constant 0 : index
    %get3A_37 = arith.constant 0 : index
    %get3A_38 = vector.load %arg5[%get3A_36, %get3A_37] : memref<1x256xf32, #tpu.memory_space<vmem>>, vector<1x256xf32>
    %add3A_39 = vector.broadcast %get3A_38 : vector<1x256xf32> to vector<1000x256xf32>
    %add3A_40 = arith.addf %dot_general3A_35, %add3A_39 : vector<1000x256xf32>
    %tanh3A = math.tanh %add3A_40 : vector<1000x256xf32>
    %get3A_41 = arith.constant 0 : index
    %get3A_42 = arith.constant 0 : index
    %get3A_43 = vector.load %arg6[%get3A_41, %get3A_42] : memref<256x64xf32, #tpu.memory_space<vmem>>, vector<256x64xf32>
    %dot_general3A_44 = arith.constant dense<0.000000e+00> : vector<1000x64xf32>
    %dot_general3A_45 = tpu.matmul %tanh3A, %get3A_43, %dot_general3A_44 {dimension_numbers = #tpu.dot_dimension_numbers<[1], [0], [0], [1], [0, 0, 1, 1], [], []>, transpose_lhs_hint = false} : vector<1000x256xf32>, vector<256x64xf32>, vector<1000x64xf32> -> vector<1000x64xf32>
    %mul3A_46 = vector.broadcast %rsqrt3A : vector<1000x1xf32> to vector<1000x64xf32>
    %mul3A_47 = arith.mulf %dot_general3A_45, %mul3A_46 : vector<1000x64xf32>
    %convert_element_type3A_48 = arith.truncf %mul3A_47 : vector<1000x64xf32> to vector<1000x64xbf16>
    %swap3A = arith.constant 0 : index
    %swap3A_49 = arith.constant 0 : index
    %swap3A_50 = vector.load %arg7[%swap3A, %swap3A_49] : memref<1000x64xbf16, #tpu.memory_space<vmem>>, vector<1000x64xbf16>
    tpu.vector_store %arg7[%swap3A, %swap3A_49], %convert_element_type3A_48 {strides = array<i32>} : memref<1000x64xbf16, #tpu.memory_space<vmem>>, vector<1000x64xbf16>,
    return
  }
  func.func @transform_0(%arg0: i32) -> (i32, i32, i32) {
    %c0_i32 = arith.constant 0 : i32
    %c0_i32_0 = arith.constant 0 : i32
    %c0_i32_1 = arith.constant 0 : i32
    %c0_i32_2 = arith.constant 0 : i32
    return %c0_i32, %c0_i32_0, %c0_i32_1 : i32, i32, i32
  }
  func.func @transform_1(%arg0: i32) -> (i32, i32, i32) {
    %c0_i32 = arith.constant 0 : i32
    %c0_i32_0 = arith.constant 0 : i32
    %c0_i32_1 = arith.constant 0 : i32
    return %c0_i32, %arg0, %c0_i32_0 : i32, i32, i32
  }
  func.func @transform_2(%arg0: i32) -> (i32, i32) {
    %c0_i32 = arith.constant 0 : i32
    %c0_i32_0 = arith.constant 0 : i32
    return %arg0, %c0_i32 : i32, i32
  }
  func.func @transform_3(%arg0: i32) -> (i32, i32) {
    %c0_i32 = arith.constant 0 : i32
    %c0_i32_0 = arith.constant 0 : i32
    %c0_i32_1 = arith.constant 0 : i32
    return %c0_i32, %c0_i32_0 : i32, i32
  }
  func.func @transform_4(%arg0: i32) -> (i32, i32) {
    %c0_i32 = arith.constant 0 : i32
    %c0_i32_0 = arith.constant 0 : i32
    %c0_i32_1 = arith.constant 0 : i32
    return %c0_i32, %c0_i32_0 : i32, i32
  }
  func.func @transform_5(%arg0: i32) -> (i32, i32) {
    %c0_i32 = arith.constant 0 : i32
    %c0_i32_0 = arith.constant 0 : i32
    %c0_i32_1 = arith.constant 0 : i32
    return %c0_i32, %c0_i32_0 : i32, i32
  }
  func.func @transform_6(%arg0: i32) -> (i32, i32) {
    %c0_i32 = arith.constant 0 : i32
    %c0_i32_0 = arith.constant 0 : i32
    return %arg0, %c0_i32 : i32, i32
  }
}

module attributes {stable_mosaic.version = 14 : i64} {
  func.func @body(%arg0: i32, %arg1: memref<2x10240x16xf32, #tpu.memory_space<vmem>>, %arg2: memref<2x1000x64xbf16, #tpu.memory_space<vmem>>, %arg3: memref<1000x64xbf16, #tpu.memory_space<vmem>>, %arg4: memref<1x64xf32, #tpu.memory_space<vmem>>, %arg5: memref<1000x64xf32, #tpu.memory_space<vmem>>) attributes {dimension_semantics = [#tpu.dimension_semantics<arbitrary>], iteration_bounds = array<i64: 10>, scalar_prefetch = 0 : i64, scratch_operands = 0 : i64, tpu.core_type = #tpu.core_type<tc>, window_params = [{pipeline_mode = #tpu.pipeline_mode<synchronous>, transform_indices = @transform_0, window_bounds = array<i64: 2, 10240, 16>}, {transform_indices = @transform_1, window_bounds = array<i64: 2, 1000, 64>}, {transform_indices = @transform_2, window_bounds = array<i64: 1000, 64>}, {pipeline_mode = #tpu.pipeline_mode<synchronous>, transform_indices = @transform_3, window_bounds = array<i64: 1, 64>}, {transform_indices = @transform_4, window_bounds = array<i64: 1000, 64>}]} {
    %mul3A = arith.constant 1000 : i32
    %mul3A_0 = arith.muli %arg0, %mul3A : i32
    %get3A = arith.constant 0 : index
    %get3A_1 = arith.index_cast %mul3A_0 : i32 to index
    %get3A_2 = arith.constant 0 : index
    %get3A_3 = vector.load %arg1[%get3A, %get3A_1, %get3A_2] : memref<2x10240x16xf32, #tpu.memory_space<vmem>>, vector<1x1000x1xf32>
    %get3A_4 = vector.shape_cast %get3A_3 : vector<1x1000x1xf32> to vector<1000x1xf32>
    %get3A_5 = arith.constant 1 : index
    %get3A_6 = arith.index_cast %mul3A_0 : i32 to index
    %get3A_7 = arith.constant 0 : index
    %get3A_8 = vector.load %arg1[%get3A_5, %get3A_6, %get3A_7] : memref<2x10240x16xf32, #tpu.memory_space<vmem>>, vector<1x1000x1xf32>
    %get3A_9 = vector.shape_cast %get3A_8 : vector<1x1000x1xf32> to vector<1000x1xf32>
    %add3A = arith.addf %get3A_4, %get3A_9 : vector<1000x1xf32>
    %add3A_10 = arith.constant 1.000000e+00 : f32
    %add3A_11 = vector.broadcast %add3A_10 : f32 to vector<1000x1xf32>
    %add3A_12 = arith.addf %add3A, %add3A_11 : vector<1000x1xf32>
    %rsqrt3A = math.rsqrt %add3A_12 : vector<1000x1xf32>
    %get3A_13 = arith.constant 0 : index
    %get3A_14 = arith.constant 0 : index
    %get3A_15 = arith.constant 0 : index
    %get3A_16 = vector.load %arg2[%get3A_13, %get3A_14, %get3A_15] : memref<2x1000x64xbf16, #tpu.memory_space<vmem>>, vector<1x1000x64xbf16>
    %get3A_17 = vector.shape_cast %get3A_16 : vector<1x1000x64xbf16> to vector<1000x64xbf16>
    %convert_element_type3A = arith.extf %get3A_17 : vector<1000x64xbf16> to vector<1000x64xf32>
    %get3A_18 = arith.constant 1 : index
    %get3A_19 = arith.constant 0 : index
    %get3A_20 = arith.constant 0 : index
    %get3A_21 = vector.load %arg2[%get3A_18, %get3A_19, %get3A_20] : memref<2x1000x64xbf16, #tpu.memory_space<vmem>>, vector<1x1000x64xbf16>
    %get3A_22 = vector.shape_cast %get3A_21 : vector<1x1000x64xbf16> to vector<1000x64xbf16>
    %convert_element_type3A_23 = arith.extf %get3A_22 : vector<1000x64xbf16> to vector<1000x64xf32>
    %add3A_24 = arith.addf %convert_element_type3A, %convert_element_type3A_23 : vector<1000x64xf32>
    %get3A_25 = arith.constant 0 : index
    %get3A_26 = arith.constant 0 : index
    %get3A_27 = vector.load %arg3[%get3A_25, %get3A_26] : memref<1000x64xbf16, #tpu.memory_space<vmem>>, vector<1000x64xbf16>
    %convert_element_type3A_28 = arith.extf %get3A_27 : vector<1000x64xbf16> to vector<1000x64xf32>
    %add3A_29 = arith.addf %add3A_24, %convert_element_type3A_28 : vector<1000x64xf32>
    %mul3A_30 = vector.broadcast %rsqrt3A : vector<1000x1xf32> to vector<1000x64xf32>
    %mul3A_31 = arith.mulf %add3A_29, %mul3A_30 : vector<1000x64xf32>
    %get3A_32 = arith.constant 0 : index
    %get3A_33 = arith.constant 0 : index
    %get3A_34 = vector.load %arg4[%get3A_32, %get3A_33] : memref<1x64xf32, #tpu.memory_space<vmem>>, vector<1x64xf32>
    %add3A_35 = vector.broadcast %get3A_34 : vector<1x64xf32> to vector<1000x64xf32>
    %add3A_36 = arith.addf %mul3A_31, %add3A_35 : vector<1000x64xf32>
    %swap3A = arith.constant 0 : index
    %swap3A_37 = arith.constant 0 : index
    %swap3A_38 = vector.load %arg5[%swap3A, %swap3A_37] : memref<1000x64xf32, #tpu.memory_space<vmem>>, vector<1000x64xf32>
    tpu.vector_store %arg5[%swap3A, %swap3A_37], %add3A_36 {strides = array<i32>} : memref<1000x64xf32, #tpu.memory_space<vmem>>, vector<1000x64xf32>,
    return
  }
  func.func @transform_0(%arg0: i32) -> (i32, i32, i32) {
    %c0_i32 = arith.constant 0 : i32
    %c0_i32_0 = arith.constant 0 : i32
    %c0_i32_1 = arith.constant 0 : i32
    %c0_i32_2 = arith.constant 0 : i32
    return %c0_i32, %c0_i32_0, %c0_i32_1 : i32, i32, i32
  }
  func.func @transform_1(%arg0: i32) -> (i32, i32, i32) {
    %c0_i32 = arith.constant 0 : i32
    %c0_i32_0 = arith.constant 0 : i32
    %c0_i32_1 = arith.constant 0 : i32
    return %c0_i32, %arg0, %c0_i32_0 : i32, i32, i32
  }
  func.func @transform_2(%arg0: i32) -> (i32, i32) {
    %c0_i32 = arith.constant 0 : i32
    %c0_i32_0 = arith.constant 0 : i32
    return %arg0, %c0_i32 : i32, i32
  }
  func.func @transform_3(%arg0: i32) -> (i32, i32) {
    %c0_i32 = arith.constant 0 : i32
    %c0_i32_0 = arith.constant 0 : i32
    %c0_i32_1 = arith.constant 0 : i32
    return %c0_i32, %c0_i32_0 : i32, i32
  }
  func.func @transform_4(%arg0: i32) -> (i32, i32) {
    %c0_i32 = arith.constant 0 : i32
    %c0_i32_0 = arith.constant 0 : i32
    return %arg0, %c0_i32 : i32, i32
  }
}

</mosaic_0001>

<sc_bundles>
// kernel: kernel.11.cloned.1.call-start
scs
__scs_entry_jumppad:
0x0: {  	(pc) =	sbr.rel $0x88, $3  }
0x1: {  	(tag) =	ssettag $0x0;
	lr =	simm.s32 $0x1  }
0x2: {  	[smem:$0x3F9B] =	sst lr;
	_ =	strace $0xD0000000  }
0x3: {  	_ = 	snop  }
0x4: {  	_ = 	snop  }
0x5: {  	_ = 	snop  }
0x6: {  	_ = 	snop  }
0x7: {  	_ = 	snop  }
__scs_overlays_trampoline_lowered:
0x8: {  	[smem:$0x3FAA] =	sst s0  }
0x9: {  	[smem:$0x3FAB] =	sst s1  }
0xa: {  	[smem:$0x3FAC] =	sst s2  }
0xb: {  	[smem:$0x3FAD] =	sst s3  }
0xc: {  	[smem:$0x3FAE] =	sst s4  }
0xd: {  	[smem:$0x3FAF] =	sst s5  }
0xe: {  	[smem:$0x3FB0] =	sst s6  }
0xf: {  	[smem:$0x3FB1] =	sst s7  }
0x10: {  	[smem:$0x3FB2] =	sst s8  }
0x11: {  	[smem:$0x3FB3] =	sst s9;
	s0 =	simm.s32 @!p0 $0x0  }
0x12: {  	s1 =	sld [smem:$0x3F99];
	s0 =	simm.s32 @p0 $0x1  }
0x13: {  	[smem:$0x3FB4] =	sst s0;
	s0 =	simm.s32 @!p1 $0x0  }
0x14: {  	s2 =	sld [smem:$0x3F98];
	s0 =	simm.s32 @p1 $0x1  }
0x15: {  	[smem:$0x3FB5] =	sst s0;
	s0 =	simm.s32 @!p2 $0x0  }
0x16: {  	s3 =	sld [smem:$0x3FDB];
	s0 =	simm.s32 @p2 $0x1  }
0x17: {  	s4 =	simm.s32 $0x1BF5;
	[smem:$0x3FB7] =	sst s0  }
0x18: {  	s0 =	sld [smem:$0x3F9A];
	_ =	swait.ge [sflag:s4], $0x0  }
0x19: {  	s7 =	sld [smem:$0x3F9B]  }
0x1a: {  	s8 =	sadd.s32 $0xFFFFE003, lr  }
0x1b: {  	s9 =	sadd.s32 $0xFFFFFEF7, lr;
	s5 =	simm.s32 $0xFFFFFFFF;
	p2 =	slt.u32 s8, $0xFFFFF086  }
0x1c: {  	p1 =	slt.u32 s9, $0xF7A;
	s5 =	simm.s32 @!p2 $0x0  }
0x1d: {  	s5 =	simm.s32 @p1 $0x1;
	p0 =	seq.s32 s7, s2  }
0x1e: {  	s7 =	smul.u32 @!p0 $0xF7A, s2;
	p2 =	seq.s32 @!p0 s5, $0x0  }
0x1f: {  	s9 =	smul.u32 $0xF7A, s1;
	s8 =	simm.s32 @!p0 $0x1BF5;
	p2 =	por !p2, p0  }
0x20: {  	[sflag:s8] =	ssyncset.s32 @!p0 $0xFFFFF086;
	s6 =	sadd.s32 @!p0 s3, s7;
	s7 =	simm.s32 @!p0 $0x108  }
0x21: {  	s3 =	sadd.s32 s3, s9;
	s6 =	sadd.s32 @!p0 $0x88, s6;
	s7 =	simm.s32 @p2 $0x1082  }
0x22: {  	[simem:s7], [sflag:s8] =	dma.local @!p0 [hbm:s6], $0xF7A  }
0x23: {  	s9 =	sor.u32 $0xD0000000, s2;
	s6 =	simm.s32 $0x108;
	_ =	swait.ge @!p0 [sflag:s8], $0x0  }
0x24: {  	s3 =	sadd.s32 $0x88, s3;
	s6 =	simm.s32 @!p1 $0x1082;
	[sflag:s4] =	ssyncset.s32 $0xFFFFF086  }
0x25: {  	[simem:s6], [sflag:s4] =	dma.local [hbm:s3], $0xF7A  }
0x26: {  	[smem:$0x3F9B] =	sst s1;
	(tag) =	ssettag s2;
	_ =	strace s9  }
0x27: {  	s1 =	sld [smem:$0x3FAB]  }
0x28: {  	s2 =	sld [smem:$0x3FAC]  }
0x29: {  	s4 =	sld [smem:$0x3FAE]  }
0x2a: {  	p0 =	seq.s32 s5, $0x0;
	s5 =	sld [smem:$0x3FAF]  }
0x2b: {  	s6 =	sld [smem:$0x3FB0]  }
0x2c: {  	s7 =	sld [smem:$0x3FB1]  }
0x2d: {  	s3 =	simm.s32 $0x108;
	s8 =	sld [smem:$0x3FB2]  }
0x2e: {  	s3 =	simm.s32 @!p0 $0x1082;
	s9 =	sld [smem:$0x3FB3]  }
0x2f: {  	lr =	sadd.s32 s0, s3;
	s0 =	sld [smem:$0x3FAA]  }
0x30: {  	s3 =	sld [smem:$0x3FAD]  }
0x31: {  	[smem:$0x3FB6] =	sst s10  }
0x32: {  	s10 =	sld [smem:$0x3FB4];
	_ =	sdelay $0x3  }
0x33: {  	p0 =	seq.s32 s10, $0x1;
	s10 =	sld [smem:$0x3FB6];
	_ =	sdelay $0x3  }
0x34: {  	[smem:$0x3FB6] =	sst s10  }
0x35: {  	s10 =	sld [smem:$0x3FB5];
	_ =	sdelay $0x3  }
0x36: {  	p1 =	seq.s32 s10, $0x1;
	s10 =	sld [smem:$0x3FB6];
	_ =	sdelay $0x3  }
0x37: {  	[smem:$0x3FB6] =	sst s10  }
0x38: {  	s10 =	sld [smem:$0x3FB7]  }
0x39: {  	_ = 	snop;
	(pc) =	sbr.ind lr, $3  }
0x3a: {  	_ = 	snop  }
0x3b: {  	_ = 	snop  }
0x3c: {  	p2 =	seq.s32 s10, $0x1;
	s10 =	sld [smem:$0x3FB6]  }
0x3d: {  	_ =	shalt  }
0x3e: {  	_ =	shalt  }
0x3f: {  	_ =	shalt  }
0x40: {  	_ =	shalt  }
0x41: {  	_ =	shalt  }
0x42: {  	_ =	shalt  }
0x43: {  	_ =	shalt  }
0x44: {  	_ =	shalt  }
0x45: {  	_ =	shalt  }
0x46: {  	_ =	shalt  }
0x47: {  	_ =	shalt  }
0x48: {  	_ =	shalt  }
0x49: {  	_ =	shalt  }
0x4a: {  	_ =	shalt  }
0x4b: {  	_ =	shalt  }
0x4c: {  	_ =	shalt  }
0x4d: {  	_ =	shalt  }
0x4e: {  	_ =	shalt  }
0x4f: {  	_ =	shalt  }
0x50: {  	_ =	shalt  }
0x51: {  	_ =	shalt  }
0x52: {  	_ =	shalt  }
0x53: {  	_ =	shalt  }
0x54: {  	_ =	shalt  }
0x55: {  	_ =	shalt  }
0x56: {  	_ =	shalt  }
0x57: {  	_ =	shalt  }
0x58: {  	_ =	shalt  }
0x59: {  	_ =	shalt  }
0x5a: {  	_ =	shalt  }
0x5b: {  	_ =	shalt  }
0x5c: {  	_ =	shalt  }
0x5d: {  	_ =	shalt  }
0x5e: {  	_ =	shalt  }
0x5f: {  	_ =	shalt  }
0x60: {  	_ =	shalt  }
0x61: {  	_ =	shalt  }
0x62: {  	_ =	shalt  }
0x63: {  	_ =	shalt  }
0x64: {  	_ =	shalt  }
0x65: {  	_ =	shalt  }
0x66: {  	_ =	shalt  }
0x67: {  	_ =	shalt  }
0x68: {  	_ =	shalt  }
0x69: {  	_ =	shalt  }
0x6a: {  	_ =	shalt  }
0x6b: {  	_ =	shalt  }
0x6c: {  	_ =	shalt  }
0x6d: {  	_ =	shalt  }
0x6e: {  	_ =	shalt  }
0x6f: {  	_ =	shalt  }
0x70: {  	_ =	shalt  }
0x71: {  	_ =	shalt  }
0x72: {  	_ =	shalt  }
0x73: {  	_ =	shalt  }
0x74: {  	_ =	shalt  }
0x75: {  	_ =	shalt  }
0x76: {  	_ =	shalt  }
0x77: {  	_ =	shalt  }
0x78: {  	_ =	shalt  }
0x79: {  	_ =	shalt  }
0x7a: {  	_ =	shalt  }
0x7b: {  	_ =	shalt  }
0x7c: {  	_ =	shalt  }
0x7d: {  	_ =	shalt  }
0x7e: {  	_ =	shalt  }
0x7f: {  	_ =	shalt  }
0x80: {  	_ =	shalt  }
0x81: {  	_ =	shalt  }
0x82: {  	_ =	shalt  }
0x83: {  	_ =	shalt  }
0x84: {  	_ =	shalt  }
0x85: {  	_ =	shalt  }
0x86: {  	_ =	shalt  }
0x87: {  	_ =	shalt  }
.Lfunc_end0:
.L_simem_size_0:
called_computation.1_lowered:
.L_overlay_start_0:
0x88: {  	s2 =	sld [smem:$0x3FD9]  }
0x89: {  	s3 =	sld [smem:$0x3FFE];
	_ =	sdelay $0x1  }
0x8a: {  	s1 =	srdreg.scid  }
0x8b: {  	s0 =	sand.u32 $0x1, s1  }
0x8c: {  	s17 =	sshll.u32 s0, $0xA;
	s2 =	sadd.s32 s3, s2  }
0x8d: {  	s2 =	sadd.s32 s2, s17  }
0x8e: {  	[smem:$0x3FC2] =	sst s2  }
0x8f: {  	_ = 	snop  }
0x90: {  	s2 =	sld [smem:$0x3FD0];
	(tm) =	ssettm $0x1  }
0x91: {  	s18 =	sld [smem:$0x3FFB];
	_ =	sdelay $0x3  }
0x92: {  	_ =	strace s18  }
0x93: {  	s3 =	sld [smem:$0x3FFC];
	_ =	sdelay $0x3  }
0x94: {  	_ =	strace s3  }
0x95: {  	s3 =	sld [smem:$0x3FFD];
	_ =	sdelay $0x3  }
0x96: {  	_ =	strace s3  }
0x97: {  	_ =	strace $0x8FFFFFFF  }
0x98: {  	s19 =	sld [smem:$0x3FDB];
	_ =	sdelay $0x1  }
0x99: {  	s4 =	simm.s32 $_scs_section_size  }
0x9a: {  	s5 =	simm.s32 $_size__tile_overlayer_lowered;
	s6 =	simm.s32 $_tile_overlayer_lowered  }
0x9b: {  	s22 =	simm.s32 $0x1BFF;
	s21 =	sshll.u32 s6, $0x1;
	s3 =	sadd.s32 s4, s19  }
0x9c: {  	s7 =	simm.s32 $0x0;
	s20 =	sshll.u32 s5, $0x1;
	s5 =	sadd.s32 s21, s3  }
0x9d: {  	[timem:s7], [sflag:s22] =	dma.local [hbm:s5], s20  }
0x9e: {  	_ =	swait.ge [sflag:s22], s20  }
0x9f: {  	s4 =	ssub.s32 $0x0, s20;
	[sflag:s22] =	ssyncset.done $0x0  }
0xa0: {  	[sflag:s22] =	ssyncadd.s32 s4;
	_ =	sdelay $0x1  }
0xa1: {  	s23 =	simm.s32 $0x1B8B  }
0xa2: {  	_ =	swait.ge [sflag:s23], $0x1  }
0xa3: {  	[sflag:s23] =	ssyncset.done $0x0  }
0xa4: {  	s25 =	simm.s32 $0x1B8E;
	s24 =	sld [smem:$0x3FFE];
	[sflag:s23] =	ssyncadd.s32 $0xFFFFFFFF  }
0xa5: {  	s26 =	simm.s32 $execute0_lowered;
	[smem:$0x3FD2] =	sst s25  }
0xa6: {  	s5 =	sshll.u32 s26, $0x1;
	_ =	strace $0x80000049;
	[dreg:$0x1] =	wrdreg $0xFFFFFFFF  }
0xa7: {  	s28 =	simm.s32 $_size_execute0_lowered;
	s3 =	sadd.s32 s3, s5;
	[dreg:$0x0] =	wrdreg $0x0  }
0xa8: {  	s5 =	sshll.u32 s28, $0x1;
	[dreg:$0x2] =	wrdreg s3  }
0xa9: {  	[dreg:$0x3] =	wrdreg s5  }
0xaa: {  	[dreg:$0x4] =	wrdreg $0xC0  }
0xab: {  	_ =	task [dreg:s7], $0x5FFFF  }
0xac: {  	[dreg:$0x1] =	wrdreg $0xFFFFFFFF  }
0xad: {  	[dreg:$0x0] =	wrdreg $0x60  }
0xae: {  	[dreg:$0x2] =	wrdreg s24  }
0xaf: {  	[dreg:$0x3] =	wrdreg s2  }
0xb0: {  	[dreg:$0x4] =	wrdreg $0x0  }
0xb1: {  	[dreg:$0x5] =	wrdreg $0x9  }
0xb2: {  	_ =	task.clear_ibuf [dreg:s7], $0x6FFFF;
	_ =	strace $0x90000049  }
0xb3: {  	s29 =	simm.s32 $0x9;
	_ =	strace $0x8000004B  }
0xb4: {  	_ =	swait.ge [sflag:s29], $0x1  }
0xb5: {  	[sflag:s29] =	ssyncadd.s32 $0xFFFFFFFF  }
0xb6: {  	_ =	strace $0x9000004B  }
0xb7: {  	_ =	sfence  }
0xb8: {  	s30 =	sld [smem:$0x0];
	_ =	sdelay $0x2  }
0xb9: {  	s31 =	sshll.u32 s1, $0xD;
	s1 =	sshrl.u32 s1, $0x2  }
0xba: {  	s3 =	sand.u32 $0x4000, s31;
	s1 =	sadd.s32 s1, s30  }
0xbb: {  	s0 =	sor.u32 s3, s0;
	s1 =	sshll.u32 s1, $0x11  }
0xbc: {  	s0 =	sor.u32 s1, s0  }
0xbd: {  	s0 =	sadd.s32 $0x8F2B, s0  }
0xbe: {  	[sflag:s0] =	ssyncadd.remote.s32 $0x1  }
0xbf: {  	_ =	sfence.sel $0xFFFF  }
0xc0: {  	[dreg:$0x0] =	wrdreg $0xFFFFFFFF;
	(pc) =	sbr.abs _section_cstart, $3  }
0xc1: {  	[dreg:$0x1] =	wrdreg $0xFFFFFFFF  }
0xc2: {  	_ =	task.clear_ibuf [dreg:s7], $0x2FFFF;
	_ =	strace $0x9FFFFFFF  }
0xc3: {  	(tm) =	ssettm $0x7FFFFFFF  }
tec
execute0_lowered:
.L_overlay_start_1:
0x0: {  	(tag) =	ssettag $0x1  }
0x1: {  	s6 =	rddreg [dreg:$0x0]  }
0x2: {  	s0 =	srdreg.scid;
	s2 =	rddreg [dreg:$0x1]  }
0x3: {  	s3 =	rddreg [dreg:$0x2];
	s4 =	simm.s32 $0x0;
	s12 =	simm.s32 $0xC8A0  }
0x4: {  	s15 =	simm.s32 $0x64;
	s16 =	simm.s32 $0xF140;
	s17 =	simm.s32 $0xA068  }
0x5: {  	s18 =	simm.s32 $0x10A40;
	s19 =	simm.s32 $0x1;
	s20 =	simm.s32 $0x2  }
0x6: {  	s21 =	simm.s32 $0xF070;
	s5 =	sand.u32 $0x1, s0;
	s0 =	stileid.u32  }
0x7: {  	s22 =	simm.s32 $0xF0D8;
	s23 =	simm.s32 $0x0;
	s8 =	smul.u32 $0x14000, s0  }
0x8: {  	[smem:$0x7FF] =	sst s4;
	s1 =	sshll.u32 s5, $0x4;
	s9 =	smul.u32 $0x140000, s5  }
0x9: {  	s10 =	ssub.s32 $0x2, s5;
	s5 =	sadd.s32 $0x16C00, s6;
	s13 =	sshll.u32 s0, $0x6  }
0xa: {  	s1 =	sor.u32 s0, s1;
	s11 =	sshrl.u32 s10, $0x1;
	s13 =	sor.u32 $0x1C03, s13  }
0xb: {  	s7 =	smul.u32 $0x28A0, s1;
	s1 =	rddreg [dreg:$0x3];
	_ =	strace $0x8000004A  }
0xc: {  	s9 =	sadd.s32 s8, s9;
	s10 =	ssub.s32 s10, s11;
	s8 =	sshrl.u32 s8, $0x1  }
0xd: {  	s11 =	simm.s32 $0x3;
	s9 =	sshrl.u32 s9, $0x4;
	s14 =	sadd.s32 s8, s3  }
0xe: {  	s7 =	sshrl.u32 s7, $0x3;
	s9 =	sadd.s32 s9, s6;
	s14 =	sshrl.u32 s14, $0x3  }
0xf: {  	s7 =	sadd.s32 s7, s6;
	s8 =	sadd.s32 $0x68000, s9;
	s9 =	smax.u32 s10, $0x1  }
0x10: {  	s10 =	simm.s32 $0xA000;
	s6 =	sadd.s32 $0x1E00, s7;
	s7 =	sadd.s32 $0xC080, s7  }
.LBB2_1:
0x11: {  	[tilespmem:s10], [sflag:$0x3] =	stream.linear.gather [hbm4b:s6+s4], $0x28A0, $0x38;
	[tilespmem:$0x12340] =	vst v63  }
0x12: {  	_ =	swait.ge [sflag:s11], $0x28A0  }
0x13: {  	[sflag:s11] =	ssyncset.done $0x0  }
0x14: {  	[sflag:s11] =	ssyncadd.s32 $0xFFFFD760  }
0x15: {  	[tilespmem:s12], [sflag:$0x3] =	stream.linear.gather [hbm4b:s7+s4], $0x28A0, $0x38;
	[tilespmem:$0x12340] =	vst v63  }
0x16: {  	_ =	swait.ge [sflag:s11], $0x28A0  }
0x17: {  	[sflag:s11] =	ssyncset.done $0x0  }
0x18: {  	[sflag:s11] =	ssyncadd.s32 $0xFFFFD760  }
0x19: {  	[spmem:s14], [sflag:s13] =	dma.local [hbm:s5], $0x1400  }
0x1a: {  	_ =	swait.ge [sflag:s11], $0x1400  }
0x1b: {  	[sflag:s11] =	ssyncset.done $0x0  }
0x1c: {  	[sflag:s11] =	ssyncadd.s32 $0xFFFFEC00  }
0x1d: {  	[bflag:$0x0] =	sbarrier.arrive $0xFFFF  }
0x1e: {  	[tilespmem:s16], [sflag:$0x1] =	stream.indirect.gather [hbm4b:s2+s15], $0x40, s10, s15, $0xb8;
	[tilespmem:$0x12340] =	vst v63  }
0x1f: {  	_ = 	snop  }
0x20: {  	[tilespmem:s18], [sflag:$0x2] =	stream.indirect.gather [hbm4b:s2+s15], $0x40, s17, s15, $0xb8;
	[tilespmem:$0x12340] =	vst v63  }
0x21: {  	_ =	swait.ge [sflag:s19], $0x1900  }
0x22: {  	[sflag:s19] =	ssyncset.done $0x0  }
0x23: {  	s24 =	simm.s32 $0xC8A0;
	[sflag:s19] =	ssyncadd.s32 $0xFFFFE700  }
0x24: {  	[spmem:s3] =	stream.indirect.scatter.add.bf16 [tilespmem:s16], [sflag:$0x3], $0x40, s24, s15, $0xb8;
	[tilespmem:$0x12340] =	vst v63  }
0x25: {  	_ =	swait.ge [sflag:s11], $0x1900  }
0x26: {  	[sflag:s11] =	ssyncset.done $0x0  }
0x27: {  	s30 =	simm.s32 $0xA0D0;
	[sflag:s11] =	ssyncadd.s32 $0xFFFFE700  }
0x28: {  	[tilespmem:s16], [sflag:$0x1] =	stream.indirect.gather [hbm4b:s2+s15], $0x40, s30, s15, $0xb8;
	[tilespmem:$0x12340] =	vst v63  }
0x29: {  	_ =	swait.ge [sflag:s20], $0x1900  }
0x2a: {  	[sflag:s20] =	ssyncset.done $0x0  }
0x2b: {  	s31 =	simm.s32 $0xC908;
	[sflag:s20] =	ssyncadd.s32 $0xFFFFE700  }
0x2c: {  	[spmem:s3] =	stream.indirect.scatter.add.bf16 [tilespmem:s18], [sflag:$0x3], $0x40, s31, s15, $0xb8;
	[tilespmem:$0x12340] =	vst v63  }
0x2d: {  	_ =	swait.ge [sflag:s11], $0x1900  }
0x2e: {  	[sflag:s11] =	ssyncset.done $0x0  }
0x2f: {  	s25 =	simm.s32 $0xA138;
	s24 =	simm.s32 $0x340;
	[sflag:s11] =	ssyncadd.s32 $0xFFFFE700  }
.LBB2_2:
0x30: {  	[tilespmem:s18], [sflag:$0x2] =	stream.indirect.gather [hbm4b:s2+s15], $0x40, s25, s15, $0xb8;
	[tilespmem:$0x12340] =	vst v63  }
0x31: {  	s25 =	smov.u32 s24  }
0x32: {  	p0 =	sne.s32 s24, $0x9C00;
	s24 =	sadd.s32 $0x340, s24;
	_ =	swait.ge [sflag:s19], $0x1900  }
0x33: {  	s25 =	sshra.s32 s25, $0x2;
	[sflag:s19] =	ssyncset.done $0x0  }
0x34: {  	s26 =	sadd.s32 $0xC8A0, s25;
	[sflag:s19] =	ssyncadd.s32 $0xFFFFE700  }
0x35: {  	[spmem:s3] =	stream.indirect.scatter.add.bf16 [tilespmem:s16], [sflag:$0x3], $0x40, s26, s15, $0xb8;
	[tilespmem:$0x12340] =	vst v63  }
0x36: {  	_ =	swait.ge [sflag:s11], $0x1900  }
0x37: {  	[sflag:s11] =	ssyncset.done $0x0  }
0x38: {  	s26 =	sadd.s32 $0xA0D0, s25;
	[sflag:s11] =	ssyncadd.s32 $0xFFFFE700  }
0x39: {  	[tilespmem:s16], [sflag:$0x1] =	stream.indirect.gather [hbm4b:s2+s15], $0x40, s26, s15, $0xb8;
	[tilespmem:$0x12340] =	vst v63  }
0x3a: {  	_ =	swait.ge [sflag:s20], $0x1900  }
0x3b: {  	[sflag:s20] =	ssyncset.done $0x0  }
.Ltmp0:
0x3c: {  	s26 =	sadd.s32 $0xC908, s25;
	[sflag:s20] =	ssyncadd.s32 $0xFFFFE700;
	(pc) =	sbr.rel @p0 .LBB2_2-.Ltmp0, $4  }
0x3d: {  	[spmem:s3] =	stream.indirect.scatter.add.bf16 [tilespmem:s18], [sflag:$0x3], $0x40, s26, s15, $0xb8;
	[tilespmem:$0x12340] =	vst v63  }
0x3e: {  	_ =	swait.ge [sflag:s11], $0x1900  }
0x3f: {  	[sflag:s11] =	ssyncset.done $0x0  }
0x40: {  	s25 =	sadd.s32 $0xA138, s25;
	[sflag:s11] =	ssyncadd.s32 $0xFFFFE700  }
0x41: {  	[tilespmem:s18], [sflag:$0x2] =	stream.indirect.gather [hbm4b:s2+s15], $0x40, s25, s15, $0xb8;
	[tilespmem:$0x12340] =	vst v63  }
0x42: {  	_ =	swait.ge [sflag:s19], $0x1900  }
0x43: {  	[sflag:s19] =	ssyncset.done $0x0  }
0x44: {  	[sflag:s19] =	ssyncadd.s32 $0xFFFFE700  }
0x45: {  	[spmem:s3] =	stream.indirect.scatter.add.bf16 [tilespmem:s16], [sflag:$0x3], $0x40, s21, s15, $0xb8;
	[tilespmem:$0x12340] =	vst v63  }
0x46: {  	_ =	swait.ge [sflag:s11], $0x1900  }
0x47: {  	[sflag:s11] =	ssyncset.done $0x0  }
0x48: {  	[sflag:s11] =	ssyncadd.s32 $0xFFFFE700  }
0x49: {  	_ =	swait.ge [sflag:s20], $0x1900  }
0x4a: {  	[sflag:s20] =	ssyncset.done $0x0  }
0x4b: {  	[sflag:s20] =	ssyncadd.s32 $0xFFFFE700  }
0x4c: {  	[spmem:s3] =	stream.indirect.scatter.add.bf16 [tilespmem:s18], [sflag:$0x3], $0x40, s22, s15, $0xb8;
	[tilespmem:$0x12340] =	vst v63  }
0x4d: {  	_ =	swait.ge [sflag:s11], $0x1900  }
0x4e: {  	s23 =	sadd.s32 $0x1, s23;
	[sflag:s11] =	ssyncset.done $0x0  }
0x4f: {  	p0 =	sne.s32 s23, s9;
	[sflag:s11] =	ssyncadd.s32 $0xFFFFE700  }
.Ltmp1:
0x50: {  	[bflag:$0x0] =	sbarrier.arrive $0xFFFF;
	(pc) =	sbr.rel @p0 .LBB2_1-.Ltmp1, $4  }
0x51: {  	[hbm:s8], [sflag:s13] =	dma.local [spmem:s14], $0x1400  }
0x52: {  	_ =	swait.ge [sflag:s11], $0x1400  }
0x53: {  	[sflag:s11] =	ssyncset.done $0x0  }
0x54: {  	[sflag:s11] =	ssyncadd.s32 $0xFFFFEC00  }
0x55: {  	_ =	sfence.sel $0x180000  }
0x56: {  	[bflag:$0x0] =	sbarrier.arrive $0xFFFF  }
0x57: {  	p0 =	sne.s32 s0, $0x0;
	_ =	strace $0x9000004A  }
0x58: {  	s0 =	sadd.s32 @!p0 $0x100000, s1;
	[bflag:$0x2] =	sbarrier.arrive $0xFFFF  }
0x59: {  	[sflag:s0] =	ssyncadd.tile.s32 @!p0 $0x1;
	_ =	shalt  }
.Lfunc_end2:
_tile_overlayer_lowered:
.L_overlay_start_2:
0x5a: {  	(tag) =	ssettag $0x2  }
0x5b: {  	s0 =	rddreg [dreg:$0x0];
	s2 =	stileid.u32  }
0x5c: {  	s1 =	rddreg [dreg:$0x1];
	p0 =	sne.s32 s2, $0x0  }
0x5d: {  	s3 =	rddreg [dreg:$0x2];
	[bflag:$0x3] =	sbarrier.arrive $0xFFFF;
	s2 =	simm.s32 @!p0 $0x1C03  }
0x5e: {  	[timem:s3], [sflag:s2] =	dma.local @!p0 [hbm:s0], s1  }
0x5f: {  	s0 =	simm.s32 @!p0 $0x3  }
0x60: {  	_ =	swait.ge @!p0 [sflag:s0], s1  }
0x61: {  	s1 =	ssub.s32 @!p0 $0x0, s1;
	[sflag:s0] =	ssyncset.done @!p0 $0x0  }
0x62: {  	[sflag:s0] =	ssyncadd.s32 @!p0 s1  }
0x63: {  	[bflag:$0x3] =	sbarrier.arrive $0xFFFF  }
0x64: {  	_ =	shalt  }

// kernel: kernel.14.cloned.1.call-start
scs
__scs_entry_jumppad:
0x0: {  	(pc) =	sbr.rel $0x88, $3  }
0x1: {  	(tag) =	ssettag $0x0;
	lr =	simm.s32 $0x1  }
0x2: {  	[smem:$0x3F9B] =	sst lr;
	_ =	strace $0xD0000000  }
0x3: {  	_ = 	snop  }
0x4: {  	_ = 	snop  }
0x5: {  	_ = 	snop  }
0x6: {  	_ = 	snop  }
0x7: {  	_ = 	snop  }
__scs_overlays_trampoline_lowered:
0x8: {  	[smem:$0x3FAA] =	sst s0  }
0x9: {  	[smem:$0x3FAB] =	sst s1  }
0xa: {  	[smem:$0x3FAC] =	sst s2  }
0xb: {  	[smem:$0x3FAD] =	sst s3  }
0xc: {  	[smem:$0x3FAE] =	sst s4  }
0xd: {  	[smem:$0x3FAF] =	sst s5  }
0xe: {  	[smem:$0x3FB0] =	sst s6  }
0xf: {  	[smem:$0x3FB1] =	sst s7  }
0x10: {  	[smem:$0x3FB2] =	sst s8  }
0x11: {  	[smem:$0x3FB3] =	sst s9;
	s0 =	simm.s32 @!p0 $0x0  }
0x12: {  	s1 =	sld [smem:$0x3F99];
	s0 =	simm.s32 @p0 $0x1  }
0x13: {  	[smem:$0x3FB4] =	sst s0;
	s0 =	simm.s32 @!p1 $0x0  }
0x14: {  	s2 =	sld [smem:$0x3F98];
	s0 =	simm.s32 @p1 $0x1  }
0x15: {  	[smem:$0x3FB5] =	sst s0;
	s0 =	simm.s32 @!p2 $0x0  }
0x16: {  	s3 =	sld [smem:$0x3FDB];
	s0 =	simm.s32 @p2 $0x1  }
0x17: {  	s4 =	simm.s32 $0x1BF5;
	[smem:$0x3FB7] =	sst s0  }
0x18: {  	s0 =	sld [smem:$0x3F9A];
	_ =	swait.ge [sflag:s4], $0x0  }
0x19: {  	s7 =	sld [smem:$0x3F9B]  }
0x1a: {  	s8 =	sadd.s32 $0xFFFFE003, lr  }
0x1b: {  	s9 =	sadd.s32 $0xFFFFFEF7, lr;
	s5 =	simm.s32 $0xFFFFFFFF;
	p2 =	slt.u32 s8, $0xFFFFF086  }
0x1c: {  	p1 =	slt.u32 s9, $0xF7A;
	s5 =	simm.s32 @!p2 $0x0  }
0x1d: {  	s5 =	simm.s32 @p1 $0x1;
	p0 =	seq.s32 s7, s2  }
0x1e: {  	s7 =	smul.u32 @!p0 $0xF7A, s2;
	p2 =	seq.s32 @!p0 s5, $0x0  }
0x1f: {  	s9 =	smul.u32 $0xF7A, s1;
	s8 =	simm.s32 @!p0 $0x1BF5;
	p2 =	por !p2, p0  }
0x20: {  	[sflag:s8] =	ssyncset.s32 @!p0 $0xFFFFF086;
	s6 =	sadd.s32 @!p0 s3, s7;
	s7 =	simm.s32 @!p0 $0x108  }
0x21: {  	s3 =	sadd.s32 s3, s9;
	s6 =	sadd.s32 @!p0 $0x88, s6;
	s7 =	simm.s32 @p2 $0x1082  }
0x22: {  	[simem:s7], [sflag:s8] =	dma.local @!p0 [hbm:s6], $0xF7A  }
0x23: {  	s9 =	sor.u32 $0xD0000000, s2;
	s6 =	simm.s32 $0x108;
	_ =	swait.ge @!p0 [sflag:s8], $0x0  }
0x24: {  	s3 =	sadd.s32 $0x88, s3;
	s6 =	simm.s32 @!p1 $0x1082;
	[sflag:s4] =	ssyncset.s32 $0xFFFFF086  }
0x25: {  	[simem:s6], [sflag:s4] =	dma.local [hbm:s3], $0xF7A  }
0x26: {  	[smem:$0x3F9B] =	sst s1;
	(tag) =	ssettag s2;
	_ =	strace s9  }
0x27: {  	s1 =	sld [smem:$0x3FAB]  }
0x28: {  	s2 =	sld [smem:$0x3FAC]  }
0x29: {  	s4 =	sld [smem:$0x3FAE]  }
0x2a: {  	p0 =	seq.s32 s5, $0x0;
	s5 =	sld [smem:$0x3FAF]  }
0x2b: {  	s6 =	sld [smem:$0x3FB0]  }
0x2c: {  	s7 =	sld [smem:$0x3FB1]  }
0x2d: {  	s3 =	simm.s32 $0x108;
	s8 =	sld [smem:$0x3FB2]  }
0x2e: {  	s3 =	simm.s32 @!p0 $0x1082;
	s9 =	sld [smem:$0x3FB3]  }
0x2f: {  	lr =	sadd.s32 s0, s3;
	s0 =	sld [smem:$0x3FAA]  }
0x30: {  	s3 =	sld [smem:$0x3FAD]  }
0x31: {  	[smem:$0x3FB6] =	sst s10  }
0x32: {  	s10 =	sld [smem:$0x3FB4];
	_ =	sdelay $0x3  }
0x33: {  	p0 =	seq.s32 s10, $0x1;
	s10 =	sld [smem:$0x3FB6];
	_ =	sdelay $0x3  }
0x34: {  	[smem:$0x3FB6] =	sst s10  }
0x35: {  	s10 =	sld [smem:$0x3FB5];
	_ =	sdelay $0x3  }
0x36: {  	p1 =	seq.s32 s10, $0x1;
	s10 =	sld [smem:$0x3FB6];
	_ =	sdelay $0x3  }
0x37: {  	[smem:$0x3FB6] =	sst s10  }
0x38: {  	s10 =	sld [smem:$0x3FB7]  }
0x39: {  	_ = 	snop;
	(pc) =	sbr.ind lr, $3  }
0x3a: {  	_ = 	snop  }
0x3b: {  	_ = 	snop  }
0x3c: {  	p2 =	seq.s32 s10, $0x1;
	s10 =	sld [smem:$0x3FB6]  }
0x3d: {  	_ =	shalt  }
0x3e: {  	_ =	shalt  }
0x3f: {  	_ =	shalt  }
0x40: {  	_ =	shalt  }
0x41: {  	_ =	shalt  }
0x42: {  	_ =	shalt  }
0x43: {  	_ =	shalt  }
0x44: {  	_ =	shalt  }
0x45: {  	_ =	shalt  }
0x46: {  	_ =	shalt  }
0x47: {  	_ =	shalt  }
0x48: {  	_ =	shalt  }
0x49: {  	_ =	shalt  }
0x4a: {  	_ =	shalt  }
0x4b: {  	_ =	shalt  }
0x4c: {  	_ =	shalt  }
0x4d: {  	_ =	shalt  }
0x4e: {  	_ =	shalt  }
0x4f: {  	_ =	shalt  }
0x50: {  	_ =	shalt  }
0x51: {  	_ =	shalt  }
0x52: {  	_ =	shalt  }
0x53: {  	_ =	shalt  }
0x54: {  	_ =	shalt  }
0x55: {  	_ =	shalt  }
0x56: {  	_ =	shalt  }
0x57: {  	_ =	shalt  }
0x58: {  	_ =	shalt  }
0x59: {  	_ =	shalt  }
0x5a: {  	_ =	shalt  }
0x5b: {  	_ =	shalt  }
0x5c: {  	_ =	shalt  }
0x5d: {  	_ =	shalt  }
0x5e: {  	_ =	shalt  }
0x5f: {  	_ =	shalt  }
0x60: {  	_ =	shalt  }
0x61: {  	_ =	shalt  }
0x62: {  	_ =	shalt  }
0x63: {  	_ =	shalt  }
0x64: {  	_ =	shalt  }
0x65: {  	_ =	shalt  }
0x66: {  	_ =	shalt  }
0x67: {  	_ =	shalt  }
0x68: {  	_ =	shalt  }
0x69: {  	_ =	shalt  }
0x6a: {  	_ =	shalt  }
0x6b: {  	_ =	shalt  }
0x6c: {  	_ =	shalt  }
0x6d: {  	_ =	shalt  }
0x6e: {  	_ =	shalt  }
0x6f: {  	_ =	shalt  }
0x70: {  	_ =	shalt  }
0x71: {  	_ =	shalt  }
0x72: {  	_ =	shalt  }
0x73: {  	_ =	shalt  }
0x74: {  	_ =	shalt  }
0x75: {  	_ =	shalt  }
0x76: {  	_ =	shalt  }
0x77: {  	_ =	shalt  }
0x78: {  	_ =	shalt  }
0x79: {  	_ =	shalt  }
0x7a: {  	_ =	shalt  }
0x7b: {  	_ =	shalt  }
0x7c: {  	_ =	shalt  }
0x7d: {  	_ =	shalt  }
0x7e: {  	_ =	shalt  }
0x7f: {  	_ =	shalt  }
0x80: {  	_ =	shalt  }
0x81: {  	_ =	shalt  }
0x82: {  	_ =	shalt  }
0x83: {  	_ =	shalt  }
0x84: {  	_ =	shalt  }
0x85: {  	_ =	shalt  }
0x86: {  	_ =	shalt  }
0x87: {  	_ =	shalt  }
.Lfunc_end0:
.L_simem_size_0:
called_computation.2_lowered:
.L_overlay_start_0:
0x88: {  	s2 =	sld [smem:$0x3FD9]  }
0x89: {  	s3 =	sld [smem:$0x3FFE];
	_ =	sdelay $0x1  }
0x8a: {  	s1 =	srdreg.scid  }
0x8b: {  	s0 =	sand.u32 $0x1, s1  }
0x8c: {  	s17 =	sshll.u32 s0, $0xA;
	s2 =	sadd.s32 s3, s2  }
0x8d: {  	s2 =	sadd.s32 s2, s17  }
0x8e: {  	[smem:$0x3FC2] =	sst s2  }
0x8f: {  	_ = 	snop  }
0x90: {  	s2 =	sld [smem:$0x3FD0];
	(tm) =	ssettm $0x1  }
0x91: {  	s18 =	sld [smem:$0x3FFB];
	_ =	sdelay $0x3  }
0x92: {  	_ =	strace s18  }
0x93: {  	s3 =	sld [smem:$0x3FFC];
	_ =	sdelay $0x3  }
0x94: {  	_ =	strace s3  }
0x95: {  	s3 =	sld [smem:$0x3FFD];
	_ =	sdelay $0x3  }
0x96: {  	_ =	strace s3  }
0x97: {  	_ =	strace $0x8FFFFFFF  }
0x98: {  	s19 =	sld [smem:$0x3FDB];
	_ =	sdelay $0x1  }
0x99: {  	s4 =	simm.s32 $_scs_section_size  }
0x9a: {  	s5 =	simm.s32 $_size__tile_overlayer_lowered;
	s6 =	simm.s32 $_tile_overlayer_lowered  }
0x9b: {  	s22 =	simm.s32 $0x1BFF;
	s21 =	sshll.u32 s6, $0x1;
	s3 =	sadd.s32 s4, s19  }
0x9c: {  	s7 =	simm.s32 $0x0;
	s20 =	sshll.u32 s5, $0x1;
	s5 =	sadd.s32 s21, s3  }
0x9d: {  	[timem:s7], [sflag:s22] =	dma.local [hbm:s5], s20  }
0x9e: {  	_ =	swait.ge [sflag:s22], s20  }
0x9f: {  	s4 =	ssub.s32 $0x0, s20;
	[sflag:s22] =	ssyncset.done $0x0  }
0xa0: {  	[sflag:s22] =	ssyncadd.s32 s4;
	_ =	sdelay $0x1  }
0xa1: {  	s23 =	simm.s32 $0x1B8B  }
0xa2: {  	_ =	swait.ge [sflag:s23], $0x1  }
0xa3: {  	[sflag:s23] =	ssyncset.done $0x0  }
0xa4: {  	s25 =	simm.s32 $0x1B8E;
	s24 =	sld [smem:$0x3FFE];
	[sflag:s23] =	ssyncadd.s32 $0xFFFFFFFF  }
0xa5: {  	s26 =	simm.s32 $execute0_lowered;
	[smem:$0x3FD2] =	sst s25  }
0xa6: {  	s5 =	sshll.u32 s26, $0x1;
	_ =	strace $0x8000004C;
	[dreg:$0x1] =	wrdreg $0xFFFFFFFF  }
0xa7: {  	s28 =	simm.s32 $_size_execute0_lowered;
	s3 =	sadd.s32 s3, s5;
	[dreg:$0x0] =	wrdreg $0x0  }
0xa8: {  	s5 =	sshll.u32 s28, $0x1;
	[dreg:$0x2] =	wrdreg s3  }
0xa9: {  	[dreg:$0x3] =	wrdreg s5  }
0xaa: {  	[dreg:$0x4] =	wrdreg $0xC0  }
0xab: {  	_ =	task [dreg:s7], $0x5FFFF  }
0xac: {  	[dreg:$0x1] =	wrdreg $0xFFFFFFFF  }
0xad: {  	[dreg:$0x0] =	wrdreg $0x60  }
0xae: {  	[dreg:$0x2] =	wrdreg s24  }
0xaf: {  	[dreg:$0x3] =	wrdreg s2  }
0xb0: {  	[dreg:$0x4] =	wrdreg $0x0  }
0xb1: {  	[dreg:$0x5] =	wrdreg $0x9  }
0xb2: {  	_ =	task.clear_ibuf [dreg:s7], $0x6FFFF;
	_ =	strace $0x9000004C  }
0xb3: {  	s29 =	simm.s32 $0x9;
	_ =	strace $0x8000004E  }
0xb4: {  	_ =	swait.ge [sflag:s29], $0x1  }
0xb5: {  	[sflag:s29] =	ssyncadd.s32 $0xFFFFFFFF  }
0xb6: {  	_ =	strace $0x9000004E  }
0xb7: {  	_ =	sfence  }
0xb8: {  	s30 =	sld [smem:$0x0];
	_ =	sdelay $0x2  }
0xb9: {  	s31 =	sshll.u32 s1, $0xD;
	s1 =	sshrl.u32 s1, $0x2  }
0xba: {  	s3 =	sand.u32 $0x4000, s31;
	s1 =	sadd.s32 s1, s30  }
0xbb: {  	s0 =	sor.u32 s3, s0;
	s1 =	sshll.u32 s1, $0x11  }
0xbc: {  	s0 =	sor.u32 s1, s0  }
0xbd: {  	s0 =	sadd.s32 $0x8F2B, s0  }
0xbe: {  	[sflag:s0] =	ssyncadd.remote.s32 $0x1  }
0xbf: {  	_ =	sfence.sel $0xFFFF  }
0xc0: {  	[dreg:$0x0] =	wrdreg $0xFFFFFFFF;
	(pc) =	sbr.abs _section_cstart, $3  }
0xc1: {  	[dreg:$0x1] =	wrdreg $0xFFFFFFFF  }
0xc2: {  	_ =	task.clear_ibuf [dreg:s7], $0x2FFFF;
	_ =	strace $0x9FFFFFFF  }
0xc3: {  	(tm) =	ssettm $0x7FFFFFFF  }
tec
execute0_lowered:
.L_overlay_start_1:
0x0: {  	(tag) =	ssettag $0x1  }
0x1: {  	s6 =	rddreg [dreg:$0x0]  }
0x2: {  	s0 =	srdreg.scid;
	s2 =	rddreg [dreg:$0x1]  }
0x3: {  	s11 =	stileid.u32;
	s3 =	rddreg [dreg:$0x2]  }
0x4: {  	s4 =	simm.s32 $0x0;
	s10 =	simm.s32 $0x5000;
	s15 =	simm.s32 $0x64  }
0x5: {  	s16 =	simm.s32 $0xA140;
	s18 =	simm.s32 $0xADC0;
	s19 =	simm.s32 $0x50D0  }
0x6: {  	s20 =	simm.s32 $0xBA40;
	s21 =	simm.s32 $0x5138;
	s22 =	simm.s32 $0xC6C0  }
0x7: {  	s23 =	simm.s32 $0x1;
	s28 =	simm.s32 $0x9FA0;
	s29 =	simm.s32 $0xA008  }
0x8: {  	s30 =	simm.s32 $0xA070;
	s31 =	simm.s32 $0xA0D8;
	s0 =	sand.u32 $0x1, s0  }
0x9: {  	s7 =	smul.u32 $0xA000, s11;
	[smem:$0x7FF] =	sst s4;
	s26 =	sshll.u32 s11, $0x6  }
0xa: {  	s1 =	sshll.u32 s0, $0x4;
	s5 =	smul.u32 $0xA0000, s0;
	_ =	strace $0x8000004D  }
0xb: {  	s0 =	ssub.s32 $0x2, s0;
	s13 =	sor.u32 $0x1C05, s26;
	s26 =	simm.s32 $0x4  }
0xc: {  	s1 =	sor.u32 s11, s1;
	s24 =	sshrl.u32 s0, $0x1;
	s9 =	sshrl.u32 s7, $0x1  }
0xd: {  	s11 =	simm.s32 $0x5;
	s1 =	smul.u32 $0x28A0, s1;
	s5 =	sadd.s32 s7, s5  }
0xe: {  	s0 =	ssub.s32 s0, s24;
	s25 =	sadd.s32 s9, s3;
	s24 =	simm.s32 $0x2  }
0xf: {  	s8 =	sshrl.u32 s5, $0x4;
	s5 =	sadd.s32 $0x90000, s6;
	s9 =	smax.u32 s0, $0x1  }
0x10: {  	s14 =	sshrl.u32 s25, $0x3;
	s1 =	sshrl.u32 s1, $0x3;
	s8 =	sadd.s32 s8, s6  }
0x11: {  	s25 =	simm.s32 $0x3;
	s1 =	sadd.s32 s1, s6;
	s8 =	sadd.s32 $0x68000, s8  }
0x12: {  	s6 =	sadd.s32 $0x1E00, s1;
	s7 =	sadd.s32 $0xC080, s1;
	s1 =	simm.s32 $0x0  }
.LBB2_1:
0x13: {  	[tilespmem:s10], [sflag:$0x5] =	stream.linear.gather [hbm4b:s6+s4], $0x28A0, $0x38;
	[tilespmem:$0xD340] =	vst v63  }
0x14: {  	_ =	swait.ge [sflag:s11], $0x28A0  }
0x15: {  	[sflag:s11] =	ssyncset.done $0x0  }
0x16: {  	s0 =	simm.s32 $0x78A0;
	[sflag:s11] =	ssyncadd.s32 $0xFFFFD760  }
0x17: {  	[tilespmem:s0], [sflag:$0x5] =	stream.linear.gather [hbm4b:s7+s4], $0x28A0, $0x38;
	[tilespmem:$0xD340] =	vst v63  }
0x18: {  	_ =	swait.ge [sflag:s11], $0x28A0  }
0x19: {  	[sflag:s11] =	ssyncset.done $0x0  }
0x1a: {  	[sflag:s11] =	ssyncadd.s32 $0xFFFFD760  }
0x1b: {  	[spmem:s14], [sflag:s13] =	dma.local [hbm:s5], $0xA00  }
0x1c: {  	_ =	swait.ge [sflag:s11], $0xA00  }
0x1d: {  	[sflag:s11] =	ssyncset.done $0x0  }
0x1e: {  	[sflag:s11] =	ssyncadd.s32 $0xFFFFF600  }
0x1f: {  	[bflag:$0x0] =	sbarrier.arrive $0xFFFF  }
0x20: {  	[tilespmem:s16], [sflag:$0x1] =	stream.indirect.gather [hbm4b:s2+s15], $0x20, s10, s15, $0xb8;
	[tilespmem:$0xD340] =	vst v63  }
0x21: {  	s12 =	simm.s32 $0x5068  }
0x22: {  	[tilespmem:s18], [sflag:$0x2] =	stream.indirect.gather [hbm4b:s2+s15], $0x20, s12, s15, $0xb8;
	[tilespmem:$0xD340] =	vst v63  }
0x23: {  	_ = 	snop  }
0x24: {  	[tilespmem:s20], [sflag:$0x3] =	stream.indirect.gather [hbm4b:s2+s15], $0x20, s19, s15, $0xb8;
	[tilespmem:$0xD340] =	vst v63  }
0x25: {  	_ = 	snop  }
0x26: {  	[tilespmem:s22], [sflag:$0x4] =	stream.indirect.gather [hbm4b:s2+s15], $0x20, s21, s15, $0xb8;
	[tilespmem:$0xD340] =	vst v63  }
0x27: {  	_ =	swait.ge [sflag:s23], $0xC80  }
0x28: {  	[sflag:s23] =	ssyncset.done $0x0  }
0x29: {  	s17 =	simm.s32 $0x78A0;
	[sflag:s23] =	ssyncadd.s32 $0xFFFFF380  }
0x2a: {  	[spmem:s3] =	stream.indirect.scatter.add.bf16 [tilespmem:s16], [sflag:$0x5], $0x20, s17, s15, $0xb8;
	[tilespmem:$0xD340] =	vst v63  }
0x2b: {  	_ =	swait.ge [sflag:s11], $0xC80  }
0x2c: {  	[sflag:s11] =	ssyncset.done $0x0  }
0x2d: {  	s12 =	simm.s32 $0x51A0;
	[sflag:s11] =	ssyncadd.s32 $0xFFFFF380  }
0x2e: {  	[tilespmem:s16], [sflag:$0x1] =	stream.indirect.gather [hbm4b:s2+s15], $0x20, s12, s15, $0xb8;
	[tilespmem:$0xD340] =	vst v63  }
0x2f: {  	_ =	swait.ge [sflag:s24], $0xC80  }
0x30: {  	[sflag:s24] =	ssyncset.done $0x0  }
0x31: {  	s17 =	simm.s32 $0x7908;
	[sflag:s24] =	ssyncadd.s32 $0xFFFFF380  }
0x32: {  	[spmem:s3] =	stream.indirect.scatter.add.bf16 [tilespmem:s18], [sflag:$0x5], $0x20, s17, s15, $0xb8;
	[tilespmem:$0xD340] =	vst v63  }
0x33: {  	_ =	swait.ge [sflag:s11], $0xC80  }
0x34: {  	[sflag:s11] =	ssyncset.done $0x0  }
0x35: {  	s12 =	simm.s32 $0x5208;
	[sflag:s11] =	ssyncadd.s32 $0xFFFFF380  }
0x36: {  	[tilespmem:s18], [sflag:$0x2] =	stream.indirect.gather [hbm4b:s2+s15], $0x20, s12, s15, $0xb8;
	[tilespmem:$0xD340] =	vst v63  }
0x37: {  	_ =	swait.ge [sflag:s25], $0xC80  }
0x38: {  	[sflag:s25] =	ssyncset.done $0x0  }
0x39: {  	s17 =	simm.s32 $0x7970;
	[sflag:s25] =	ssyncadd.s32 $0xFFFFF380  }
0x3a: {  	[spmem:s3] =	stream.indirect.scatter.add.bf16 [tilespmem:s20], [sflag:$0x5], $0x20, s17, s15, $0xb8;
	[tilespmem:$0xD340] =	vst v63  }
0x3b: {  	_ =	swait.ge [sflag:s11], $0xC80  }
0x3c: {  	[sflag:s11] =	ssyncset.done $0x0  }
0x3d: {  	s12 =	simm.s32 $0x5270;
	[sflag:s11] =	ssyncadd.s32 $0xFFFFF380  }
0x3e: {  	[tilespmem:s20], [sflag:$0x3] =	stream.indirect.gather [hbm4b:s2+s15], $0x20, s12, s15, $0xb8;
	[tilespmem:$0xD340] =	vst v63  }
0x3f: {  	_ =	swait.ge [sflag:s26], $0xC80  }
0x40: {  	[sflag:s26] =	ssyncset.done $0x0  }
0x41: {  	s17 =	simm.s32 $0x79D8;
	[sflag:s26] =	ssyncadd.s32 $0xFFFFF380  }
0x42: {  	[spmem:s3] =	stream.indirect.scatter.add.bf16 [tilespmem:s22], [sflag:$0x5], $0x20, s17, s15, $0xb8;
	[tilespmem:$0xD340] =	vst v63  }
0x43: {  	_ =	swait.ge [sflag:s11], $0xC80  }
0x44: {  	[sflag:s11] =	ssyncset.done $0x0  }
0x45: {  	s0 =	simm.s32 $0x680;
	s12 =	simm.s32 $0x52D8;
	[sflag:s11] =	ssyncadd.s32 $0xFFFFF380  }
.LBB2_2:
0x46: {  	[tilespmem:s22], [sflag:$0x4] =	stream.indirect.gather [hbm4b:s2+s15], $0x20, s12, s15, $0xb8;
	[tilespmem:$0xD340] =	vst v63  }
0x47: {  	s12 =	smov.u32 s0  }
0x48: {  	p0 =	sne.s32 s0, $0x9580;
	s0 =	sadd.s32 $0x680, s0;
	_ =	swait.ge [sflag:s23], $0xC80  }
0x49: {  	s12 =	sshra.s32 s12, $0x2;
	[sflag:s23] =	ssyncset.done $0x0  }
0x4a: {  	s17 =	sadd.s32 $0x78A0, s12;
	[sflag:s23] =	ssyncadd.s32 $0xFFFFF380  }
0x4b: {  	[spmem:s3] =	stream.indirect.scatter.add.bf16 [tilespmem:s16], [sflag:$0x5], $0x20, s17, s15, $0xb8;
	[tilespmem:$0xD340] =	vst v63  }
0x4c: {  	_ =	swait.ge [sflag:s11], $0xC80  }
0x4d: {  	[sflag:s11] =	ssyncset.done $0x0  }
0x4e: {  	s17 =	sadd.s32 $0x51A0, s12;
	[sflag:s11] =	ssyncadd.s32 $0xFFFFF380  }
0x4f: {  	[tilespmem:s16], [sflag:$0x1] =	stream.indirect.gather [hbm4b:s2+s15], $0x20, s17, s15, $0xb8;
	[tilespmem:$0xD340] =	vst v63  }
0x50: {  	_ =	swait.ge [sflag:s24], $0xC80  }
0x51: {  	[sflag:s24] =	ssyncset.done $0x0  }
0x52: {  	s17 =	sadd.s32 $0x7908, s12;
	[sflag:s24] =	ssyncadd.s32 $0xFFFFF380  }
0x53: {  	[spmem:s3] =	stream.indirect.scatter.add.bf16 [tilespmem:s18], [sflag:$0x5], $0x20, s17, s15, $0xb8;
	[tilespmem:$0xD340] =	vst v63  }
0x54: {  	_ =	swait.ge [sflag:s11], $0xC80  }
0x55: {  	[sflag:s11] =	ssyncset.done $0x0  }
0x56: {  	s17 =	sadd.s32 $0x5208, s12;
	[sflag:s11] =	ssyncadd.s32 $0xFFFFF380  }
0x57: {  	[tilespmem:s18], [sflag:$0x2] =	stream.indirect.gather [hbm4b:s2+s15], $0x20, s17, s15, $0xb8;
	[tilespmem:$0xD340] =	vst v63  }
0x58: {  	_ =	swait.ge [sflag:s25], $0xC80  }
0x59: {  	[sflag:s25] =	ssyncset.done $0x0  }
0x5a: {  	s17 =	sadd.s32 $0x7970, s12;
	[sflag:s25] =	ssyncadd.s32 $0xFFFFF380  }
0x5b: {  	[spmem:s3] =	stream.indirect.scatter.add.bf16 [tilespmem:s20], [sflag:$0x5], $0x20, s17, s15, $0xb8;
	[tilespmem:$0xD340] =	vst v63  }
0x5c: {  	_ =	swait.ge [sflag:s11], $0xC80  }
0x5d: {  	[sflag:s11] =	ssyncset.done $0x0  }
0x5e: {  	s17 =	sadd.s32 $0x5270, s12;
	[sflag:s11] =	ssyncadd.s32 $0xFFFFF380  }
0x5f: {  	[tilespmem:s20], [sflag:$0x3] =	stream.indirect.gather [hbm4b:s2+s15], $0x20, s17, s15, $0xb8;
	[tilespmem:$0xD340] =	vst v63  }
0x60: {  	_ =	swait.ge [sflag:s26], $0xC80  }
0x61: {  	[sflag:s26] =	ssyncset.done $0x0  }
.Ltmp0:
0x62: {  	s17 =	sadd.s32 $0x79D8, s12;
	[sflag:s26] =	ssyncadd.s32 $0xFFFFF380;
	(pc) =	sbr.rel @p0 .LBB2_2-.Ltmp0, $4  }
0x63: {  	[spmem:s3] =	stream.indirect.scatter.add.bf16 [tilespmem:s22], [sflag:$0x5], $0x20, s17, s15, $0xb8;
	[tilespmem:$0xD340] =	vst v63  }
0x64: {  	_ =	swait.ge [sflag:s11], $0xC80  }
0x65: {  	[sflag:s11] =	ssyncset.done $0x0  }
0x66: {  	s12 =	sadd.s32 $0x52D8, s12;
	[sflag:s11] =	ssyncadd.s32 $0xFFFFF380  }
0x67: {  	[tilespmem:s22], [sflag:$0x4] =	stream.indirect.gather [hbm4b:s2+s15], $0x20, s12, s15, $0xb8;
	[tilespmem:$0xD340] =	vst v63  }
0x68: {  	_ =	swait.ge [sflag:s23], $0xC80  }
0x69: {  	[sflag:s23] =	ssyncset.done $0x0  }
0x6a: {  	[sflag:s23] =	ssyncadd.s32 $0xFFFFF380  }
0x6b: {  	[spmem:s3] =	stream.indirect.scatter.add.bf16 [tilespmem:s16], [sflag:$0x5], $0x20, s28, s15, $0xb8;
	[tilespmem:$0xD340] =	vst v63  }
0x6c: {  	_ =	swait.ge [sflag:s11], $0xC80  }
0x6d: {  	[sflag:s11] =	ssyncset.done $0x0  }
0x6e: {  	[sflag:s11] =	ssyncadd.s32 $0xFFFFF380  }
0x6f: {  	_ =	swait.ge [sflag:s24], $0xC80  }
0x70: {  	[sflag:s24] =	ssyncset.done $0x0  }
0x71: {  	[sflag:s24] =	ssyncadd.s32 $0xFFFFF380  }
0x72: {  	[spmem:s3] =	stream.indirect.scatter.add.bf16 [tilespmem:s18], [sflag:$0x5], $0x20, s29, s15, $0xb8;
	[tilespmem:$0xD340] =	vst v63  }
0x73: {  	_ =	swait.ge [sflag:s11], $0xC80  }
0x74: {  	[sflag:s11] =	ssyncset.done $0x0  }
0x75: {  	[sflag:s11] =	ssyncadd.s32 $0xFFFFF380  }
0x76: {  	_ =	swait.ge [sflag:s25], $0xC80  }
0x77: {  	[sflag:s25] =	ssyncset.done $0x0  }
0x78: {  	[sflag:s25] =	ssyncadd.s32 $0xFFFFF380  }
0x79: {  	[spmem:s3] =	stream.indirect.scatter.add.bf16 [tilespmem:s20], [sflag:$0x5], $0x20, s30, s15, $0xb8;
	[tilespmem:$0xD340] =	vst v63  }
0x7a: {  	_ =	swait.ge [sflag:s11], $0xC80  }
0x7b: {  	[sflag:s11] =	ssyncset.done $0x0  }
0x7c: {  	[sflag:s11] =	ssyncadd.s32 $0xFFFFF380  }
0x7d: {  	_ =	swait.ge [sflag:s26], $0xC80  }
0x7e: {  	[sflag:s26] =	ssyncset.done $0x0  }
0x7f: {  	[sflag:s26] =	ssyncadd.s32 $0xFFFFF380  }
0x80: {  	[spmem:s3] =	stream.indirect.scatter.add.bf16 [tilespmem:s22], [sflag:$0x5], $0x20, s31, s15, $0xb8;
	[tilespmem:$0xD340] =	vst v63  }
0x81: {  	_ =	swait.ge [sflag:s11], $0xC80  }
0x82: {  	s1 =	sadd.s32 $0x1, s1;
	[sflag:s11] =	ssyncset.done $0x0  }
0x83: {  	p0 =	sne.s32 s1, s9;
	[sflag:s11] =	ssyncadd.s32 $0xFFFFF380  }
.Ltmp1:
0x84: {  	[bflag:$0x0] =	sbarrier.arrive $0xFFFF;
	(pc) =	sbr.rel @p0 .LBB2_1-.Ltmp1, $4  }
0x85: {  	[hbm:s8], [sflag:s13] =	dma.local [spmem:s14], $0xA00  }
0x86: {  	_ =	swait.ge [sflag:s11], $0xA00  }
0x87: {  	[sflag:s11] =	ssyncset.done $0x0  }
0x88: {  	[sflag:s11] =	ssyncadd.s32 $0xFFFFF600  }
0x89: {  	_ =	sfence.sel $0x180000  }
0x8a: {  	[bflag:$0x0] =	sbarrier.arrive $0xFFFF  }
0x8b: {  	_ =	strace $0x9000004D  }
0x8c: {  	s0 =	stileid.u32;
	[bflag:$0x2] =	sbarrier.arrive $0xFFFF  }
0x8d: {  	p0 =	sne.s32 s0, $0x0;
	s0 =	rddreg [dreg:$0x3]  }
0x8e: {  	s0 =	sadd.s32 @!p0 $0x100000, s0  }
0x8f: {  	[sflag:s0] =	ssyncadd.tile.s32 @!p0 $0x1;
	_ =	shalt  }
.Lfunc_end2:
_tile_overlayer_lowered:
.L_overlay_start_2:
0x90: {  	(tag) =	ssettag $0x2  }
0x91: {  	s0 =	rddreg [dreg:$0x0];
	s2 =	stileid.u32  }
0x92: {  	s1 =	rddreg [dreg:$0x1];
	p0 =	sne.s32 s2, $0x0  }
0x93: {  	s3 =	rddreg [dreg:$0x2];
	[bflag:$0x3] =	sbarrier.arrive $0xFFFF;
	s2 =	simm.s32 @!p0 $0x1C05  }
0x94: {  	[timem:s3], [sflag:s2] =	dma.local @!p0 [hbm:s0], s1  }
0x95: {  	s0 =	simm.s32 @!p0 $0x5  }
0x96: {  	_ =	swait.ge @!p0 [sflag:s0], s1  }
0x97: {  	s1 =	ssub.s32 @!p0 $0x0, s1;
	[sflag:s0] =	ssyncset.done @!p0 $0x0  }
0x98: {  	[sflag:s0] =	ssyncadd.s32 @!p0 s1  }
0x99: {  	[bflag:$0x3] =	sbarrier.arrive $0xFFFF  }
0x9a: {  	_ =	shalt  }

// kernel: kernel.8.cloned.1.call-start
scs
__scs_entry_jumppad:
0x0: {  	(pc) =	sbr.rel $0x88, $3  }
0x1: {  	(tag) =	ssettag $0x0;
	lr =	simm.s32 $0x1  }
0x2: {  	[smem:$0x3F9B] =	sst lr;
	_ =	strace $0xD0000000  }
0x3: {  	_ = 	snop  }
0x4: {  	_ = 	snop  }
0x5: {  	_ = 	snop  }
0x6: {  	_ = 	snop  }
0x7: {  	_ = 	snop  }
__scs_overlays_trampoline_lowered:
0x8: {  	[smem:$0x3FAA] =	sst s0  }
0x9: {  	[smem:$0x3FAB] =	sst s1  }
0xa: {  	[smem:$0x3FAC] =	sst s2  }
0xb: {  	[smem:$0x3FAD] =	sst s3  }
0xc: {  	[smem:$0x3FAE] =	sst s4  }
0xd: {  	[smem:$0x3FAF] =	sst s5  }
0xe: {  	[smem:$0x3FB0] =	sst s6  }
0xf: {  	[smem:$0x3FB1] =	sst s7  }
0x10: {  	[smem:$0x3FB2] =	sst s8  }
0x11: {  	[smem:$0x3FB3] =	sst s9;
	s0 =	simm.s32 @!p0 $0x0  }
0x12: {  	s1 =	sld [smem:$0x3F99];
	s0 =	simm.s32 @p0 $0x1  }
0x13: {  	[smem:$0x3FB4] =	sst s0;
	s0 =	simm.s32 @!p1 $0x0  }
0x14: {  	s2 =	sld [smem:$0x3F98];
	s0 =	simm.s32 @p1 $0x1  }
0x15: {  	[smem:$0x3FB5] =	sst s0;
	s0 =	simm.s32 @!p2 $0x0  }
0x16: {  	s3 =	sld [smem:$0x3FDB];
	s0 =	simm.s32 @p2 $0x1  }
0x17: {  	s4 =	simm.s32 $0x1BF5;
	[smem:$0x3FB7] =	sst s0  }
0x18: {  	s0 =	sld [smem:$0x3F9A];
	_ =	swait.ge [sflag:s4], $0x0  }
0x19: {  	s7 =	sld [smem:$0x3F9B]  }
0x1a: {  	s8 =	sadd.s32 $0xFFFFE003, lr  }
0x1b: {  	s9 =	sadd.s32 $0xFFFFFEF7, lr;
	s5 =	simm.s32 $0xFFFFFFFF;
	p2 =	slt.u32 s8, $0xFFFFF086  }
0x1c: {  	p1 =	slt.u32 s9, $0xF7A;
	s5 =	simm.s32 @!p2 $0x0  }
0x1d: {  	s5 =	simm.s32 @p1 $0x1;
	p0 =	seq.s32 s7, s2  }
0x1e: {  	s7 =	smul.u32 @!p0 $0xF7A, s2;
	p2 =	seq.s32 @!p0 s5, $0x0  }
0x1f: {  	s9 =	smul.u32 $0xF7A, s1;
	s8 =	simm.s32 @!p0 $0x1BF5;
	p2 =	por !p2, p0  }
0x20: {  	[sflag:s8] =	ssyncset.s32 @!p0 $0xFFFFF086;
	s6 =	sadd.s32 @!p0 s3, s7;
	s7 =	simm.s32 @!p0 $0x108  }
0x21: {  	s3 =	sadd.s32 s3, s9;
	s6 =	sadd.s32 @!p0 $0x88, s6;
	s7 =	simm.s32 @p2 $0x1082  }
0x22: {  	[simem:s7], [sflag:s8] =	dma.local @!p0 [hbm:s6], $0xF7A  }
0x23: {  	s9 =	sor.u32 $0xD0000000, s2;
	s6 =	simm.s32 $0x108;
	_ =	swait.ge @!p0 [sflag:s8], $0x0  }
0x24: {  	s3 =	sadd.s32 $0x88, s3;
	s6 =	simm.s32 @!p1 $0x1082;
	[sflag:s4] =	ssyncset.s32 $0xFFFFF086  }
0x25: {  	[simem:s6], [sflag:s4] =	dma.local [hbm:s3], $0xF7A  }
0x26: {  	[smem:$0x3F9B] =	sst s1;
	(tag) =	ssettag s2;
	_ =	strace s9  }
0x27: {  	s1 =	sld [smem:$0x3FAB]  }
0x28: {  	s2 =	sld [smem:$0x3FAC]  }
0x29: {  	s4 =	sld [smem:$0x3FAE]  }
0x2a: {  	p0 =	seq.s32 s5, $0x0;
	s5 =	sld [smem:$0x3FAF]  }
0x2b: {  	s6 =	sld [smem:$0x3FB0]  }
0x2c: {  	s7 =	sld [smem:$0x3FB1]  }
0x2d: {  	s3 =	simm.s32 $0x108;
	s8 =	sld [smem:$0x3FB2]  }
0x2e: {  	s3 =	simm.s32 @!p0 $0x1082;
	s9 =	sld [smem:$0x3FB3]  }
0x2f: {  	lr =	sadd.s32 s0, s3;
	s0 =	sld [smem:$0x3FAA]  }
0x30: {  	s3 =	sld [smem:$0x3FAD]  }
0x31: {  	[smem:$0x3FB6] =	sst s10  }
0x32: {  	s10 =	sld [smem:$0x3FB4];
	_ =	sdelay $0x3  }
0x33: {  	p0 =	seq.s32 s10, $0x1;
	s10 =	sld [smem:$0x3FB6];
	_ =	sdelay $0x3  }
0x34: {  	[smem:$0x3FB6] =	sst s10  }
0x35: {  	s10 =	sld [smem:$0x3FB5];
	_ =	sdelay $0x3  }
0x36: {  	p1 =	seq.s32 s10, $0x1;
	s10 =	sld [smem:$0x3FB6];
	_ =	sdelay $0x3  }
0x37: {  	[smem:$0x3FB6] =	sst s10  }
0x38: {  	s10 =	sld [smem:$0x3FB7]  }
0x39: {  	_ = 	snop;
	(pc) =	sbr.ind lr, $3  }
0x3a: {  	_ = 	snop  }
0x3b: {  	_ = 	snop  }
0x3c: {  	p2 =	seq.s32 s10, $0x1;
	s10 =	sld [smem:$0x3FB6]  }
0x3d: {  	_ =	shalt  }
0x3e: {  	_ =	shalt  }
0x3f: {  	_ =	shalt  }
0x40: {  	_ =	shalt  }
0x41: {  	_ =	shalt  }
0x42: {  	_ =	shalt  }
0x43: {  	_ =	shalt  }
0x44: {  	_ =	shalt  }
0x45: {  	_ =	shalt  }
0x46: {  	_ =	shalt  }
0x47: {  	_ =	shalt  }
0x48: {  	_ =	shalt  }
0x49: {  	_ =	shalt  }
0x4a: {  	_ =	shalt  }
0x4b: {  	_ =	shalt  }
0x4c: {  	_ =	shalt  }
0x4d: {  	_ =	shalt  }
0x4e: {  	_ =	shalt  }
0x4f: {  	_ =	shalt  }
0x50: {  	_ =	shalt  }
0x51: {  	_ =	shalt  }
0x52: {  	_ =	shalt  }
0x53: {  	_ =	shalt  }
0x54: {  	_ =	shalt  }
0x55: {  	_ =	shalt  }
0x56: {  	_ =	shalt  }
0x57: {  	_ =	shalt  }
0x58: {  	_ =	shalt  }
0x59: {  	_ =	shalt  }
0x5a: {  	_ =	shalt  }
0x5b: {  	_ =	shalt  }
0x5c: {  	_ =	shalt  }
0x5d: {  	_ =	shalt  }
0x5e: {  	_ =	shalt  }
0x5f: {  	_ =	shalt  }
0x60: {  	_ =	shalt  }
0x61: {  	_ =	shalt  }
0x62: {  	_ =	shalt  }
0x63: {  	_ =	shalt  }
0x64: {  	_ =	shalt  }
0x65: {  	_ =	shalt  }
0x66: {  	_ =	shalt  }
0x67: {  	_ =	shalt  }
0x68: {  	_ =	shalt  }
0x69: {  	_ =	shalt  }
0x6a: {  	_ =	shalt  }
0x6b: {  	_ =	shalt  }
0x6c: {  	_ =	shalt  }
0x6d: {  	_ =	shalt  }
0x6e: {  	_ =	shalt  }
0x6f: {  	_ =	shalt  }
0x70: {  	_ =	shalt  }
0x71: {  	_ =	shalt  }
0x72: {  	_ =	shalt  }
0x73: {  	_ =	shalt  }
0x74: {  	_ =	shalt  }
0x75: {  	_ =	shalt  }
0x76: {  	_ =	shalt  }
0x77: {  	_ =	shalt  }
0x78: {  	_ =	shalt  }
0x79: {  	_ =	shalt  }
0x7a: {  	_ =	shalt  }
0x7b: {  	_ =	shalt  }
0x7c: {  	_ =	shalt  }
0x7d: {  	_ =	shalt  }
0x7e: {  	_ =	shalt  }
0x7f: {  	_ =	shalt  }
0x80: {  	_ =	shalt  }
0x81: {  	_ =	shalt  }
0x82: {  	_ =	shalt  }
0x83: {  	_ =	shalt  }
0x84: {  	_ =	shalt  }
0x85: {  	_ =	shalt  }
0x86: {  	_ =	shalt  }
0x87: {  	_ =	shalt  }
.Lfunc_end0:
.L_simem_size_0:
called_computation_lowered:
.L_overlay_start_0:
0x88: {  	s2 =	sld [smem:$0x3FD9]  }
0x89: {  	s3 =	sld [smem:$0x3FFE];
	_ =	sdelay $0x1  }
0x8a: {  	s1 =	srdreg.scid  }
0x8b: {  	s0 =	sand.u32 $0x1, s1  }
0x8c: {  	s17 =	sshll.u32 s0, $0xA;
	s2 =	sadd.s32 s3, s2  }
0x8d: {  	s2 =	sadd.s32 s2, s17  }
0x8e: {  	[smem:$0x3FC2] =	sst s2  }
0x8f: {  	_ = 	snop  }
0x90: {  	s2 =	sld [smem:$0x3FD0];
	(tm) =	ssettm $0x1  }
0x91: {  	s18 =	sld [smem:$0x3FFB];
	_ =	sdelay $0x3  }
0x92: {  	_ =	strace s18  }
0x93: {  	s3 =	sld [smem:$0x3FFC];
	_ =	sdelay $0x3  }
0x94: {  	_ =	strace s3  }
0x95: {  	s3 =	sld [smem:$0x3FFD];
	_ =	sdelay $0x3  }
0x96: {  	_ =	strace s3  }
0x97: {  	_ =	strace $0x8FFFFFFF  }
0x98: {  	s19 =	sld [smem:$0x3FDB];
	_ =	sdelay $0x1  }
0x99: {  	s4 =	simm.s32 $_scs_section_size  }
0x9a: {  	s5 =	simm.s32 $_size__tile_overlayer_lowered;
	s6 =	simm.s32 $_tile_overlayer_lowered  }
0x9b: {  	s22 =	simm.s32 $0x1BFF;
	s21 =	sshll.u32 s6, $0x1;
	s3 =	sadd.s32 s4, s19  }
0x9c: {  	s7 =	simm.s32 $0x0;
	s20 =	sshll.u32 s5, $0x1;
	s5 =	sadd.s32 s21, s3  }
0x9d: {  	[timem:s7], [sflag:s22] =	dma.local [hbm:s5], s20  }
0x9e: {  	_ =	swait.ge [sflag:s22], s20  }
0x9f: {  	s4 =	ssub.s32 $0x0, s20;
	[sflag:s22] =	ssyncset.done $0x0  }
0xa0: {  	[sflag:s22] =	ssyncadd.s32 s4;
	_ =	sdelay $0x1  }
0xa1: {  	s23 =	simm.s32 $0x1B8B  }
0xa2: {  	_ =	swait.ge [sflag:s23], $0x1  }
0xa3: {  	[sflag:s23] =	ssyncset.done $0x0  }
0xa4: {  	s25 =	simm.s32 $0x1B8E;
	s24 =	sld [smem:$0x3FFE];
	[sflag:s23] =	ssyncadd.s32 $0xFFFFFFFF  }
0xa5: {  	s26 =	simm.s32 $execute0_lowered;
	[smem:$0x3FD2] =	sst s25  }
0xa6: {  	s5 =	sshll.u32 s26, $0x1;
	_ =	strace $0x80000046;
	[dreg:$0x1] =	wrdreg $0xFFFFFFFF  }
0xa7: {  	s28 =	simm.s32 $_size_execute0_lowered;
	s3 =	sadd.s32 s3, s5;
	[dreg:$0x0] =	wrdreg $0x0  }
0xa8: {  	s5 =	sshll.u32 s28, $0x1;
	[dreg:$0x2] =	wrdreg s3  }
0xa9: {  	[dreg:$0x3] =	wrdreg s5  }
0xaa: {  	[dreg:$0x4] =	wrdreg $0xC0  }
0xab: {  	_ =	task [dreg:s7], $0x5FFFF  }
0xac: {  	[dreg:$0x1] =	wrdreg $0xFFFFFFFF  }
0xad: {  	[dreg:$0x0] =	wrdreg $0x60  }
0xae: {  	[dreg:$0x2] =	wrdreg s24  }
0xaf: {  	[dreg:$0x3] =	wrdreg s2  }
0xb0: {  	[dreg:$0x4] =	wrdreg $0x0  }
0xb1: {  	[dreg:$0x5] =	wrdreg $0x9  }
0xb2: {  	_ =	task.clear_ibuf [dreg:s7], $0x6FFFF;
	_ =	strace $0x90000046  }
0xb3: {  	s29 =	simm.s32 $0x9;
	_ =	strace $0x80000048  }
0xb4: {  	_ =	swait.ge [sflag:s29], $0x1  }
0xb5: {  	[sflag:s29] =	ssyncadd.s32 $0xFFFFFFFF  }
0xb6: {  	_ =	strace $0x90000048  }
0xb7: {  	_ =	sfence  }
0xb8: {  	s30 =	sld [smem:$0x0];
	_ =	sdelay $0x2  }
0xb9: {  	s31 =	sshll.u32 s1, $0xD;
	s1 =	sshrl.u32 s1, $0x2  }
0xba: {  	s3 =	sand.u32 $0x4000, s31;
	s1 =	sadd.s32 s1, s30  }
0xbb: {  	s0 =	sor.u32 s3, s0;
	s1 =	sshll.u32 s1, $0x11  }
0xbc: {  	s0 =	sor.u32 s1, s0  }
0xbd: {  	s0 =	sadd.s32 $0x8F2B, s0  }
0xbe: {  	[sflag:s0] =	ssyncadd.remote.s32 $0x1  }
0xbf: {  	_ =	sfence.sel $0xFFFF  }
0xc0: {  	[dreg:$0x0] =	wrdreg $0xFFFFFFFF;
	(pc) =	sbr.abs _section_cstart, $3  }
0xc1: {  	[dreg:$0x1] =	wrdreg $0xFFFFFFFF  }
0xc2: {  	_ =	task.clear_ibuf [dreg:s7], $0x2FFFF;
	_ =	strace $0x9FFFFFFF  }
0xc3: {  	(tm) =	ssettm $0x7FFFFFFF  }
tec
execute0_lowered:
.L_overlay_start_1:
0x0: {  	(tag) =	ssettag $0x1  }
0x1: {  	s6 =	rddreg [dreg:$0x0]  }
0x2: {  	s0 =	srdreg.scid;
	s8 =	rddreg [dreg:$0x1]  }
0x3: {  	s2 =	rddreg [dreg:$0x2];
	s3 =	simm.s32 $0x0;
	s14 =	simm.s32 $0x64  }
0x4: {  	s15 =	simm.s32 $0x0;
	s7 =	sand.u32 $0x1, s0;
	s0 =	stileid.u32  }
0x5: {  	[smem:$0x7FF] =	sst s3;
	s5 =	sadd.s32 $0x16400, s6;
	s10 =	smul.u32 $0x2800, s0  }
0x6: {  	s1 =	sshll.u32 s7, $0x4;
	s11 =	smul.u32 $0x28000, s7;
	s7 =	ssub.s32 $0x2, s7  }
0x7: {  	s31 =	sshll.u32 s0, $0x6;
	s4 =	sor.u32 s0, s1;
	s1 =	rddreg [dreg:$0x3]  }
0x8: {  	_ =	strace $0x80000047;
	s12 =	sshrl.u32 s7, $0x1;
	s9 =	smul.u32 $0x28A0, s4  }
0x9: {  	s4 =	sadd.s32 $0x16A00, s6;
	s11 =	sadd.s32 s10, s11;
	s12 =	ssub.s32 s7, s12  }
0xa: {  	s13 =	sadd.s32 s10, s2;
	s10 =	simm.s32 $0x1;
	s30 =	sshrl.u32 s11, $0x3  }
0xb: {  	s11 =	sor.u32 $0x1C01, s31;
	s9 =	sshrl.u32 s9, $0x3;
	s7 =	sadd.s32 s8, s30  }
0xc: {  	s8 =	smax.u32 s12, $0x1;
	s12 =	sshrl.u32 s13, $0x3;
	s6 =	sadd.s32 s6, s9  }
0xd: {  	s13 =	simm.s32 $0x50A0;
	s9 =	simm.s32 $0x2800;
	s6 =	sadd.s32 $0xC080, s6  }
.LBB2_1:
0xe: {  	[tilespmem:s9], [sflag:$0x1] =	stream.linear.gather [hbm4b:s6+s3], $0x28A0, $0x38;
	[tilespmem:$0x56E0] =	vst v63  }
0xf: {  	_ =	swait.ge [sflag:s10], $0x28A0  }
0x10: {  	[sflag:s10] =	ssyncset.done $0x0  }
0x11: {  	[sflag:s10] =	ssyncadd.s32 $0xFFFFD760  }
0x12: {  	[spmem:s12], [sflag:s11] =	dma.local [hbm:s5], $0x500  }
0x13: {  	_ =	swait.ge [sflag:s10], $0x500  }
0x14: {  	[sflag:s10] =	ssyncset.done $0x0  }
0x15: {  	[sflag:s10] =	ssyncadd.s32 $0xFFFFFB00  }
0x16: {  	[tilespmem:s13], [sflag:$0x1] =	stream.linear.gather [hbm4b:s4+s3], $0x640, $0x38;
	[tilespmem:$0x56E0] =	vst v63  }
0x17: {  	_ =	swait.ge [sflag:s10], $0x640  }
0x18: {  	[sflag:s10] =	ssyncset.done $0x0  }
0x19: {  	[sflag:s10] =	ssyncadd.s32 $0xFFFFF9C0  }
0x1a: {  	s16 =	simm.s32 $0x2800;
	[bflag:$0x0] =	sbarrier.arrive $0xFFFF  }
0x1b: {  	[spmem:s2] =	stream.indirect.scatter.add.f32 [tilespmem:s13], [sflag:$0x1], $0x10, s16, s14, $0xb8;
	[tilespmem:$0x56E0] =	vst v63  }
0x1c: {  	s16 =	simm.s32 $0x1A0;
	_ =	swait.ge [sflag:s10], $0x640  }
.LBB2_2:
0x1d: {  	s17 =	sshra.s32 s16, $0x2;
	[sflag:s10] =	ssyncset.done $0x0;
	p0 =	sne.s32 s16, $0xA0E0  }
.Ltmp0:
0x1e: {  	s17 =	sadd.s32 $0x2800, s17;
	[sflag:s10] =	ssyncadd.s32 $0xFFFFF9C0;
	(pc) =	sbr.rel @p0 .LBB2_2-.Ltmp0, $3  }
0x1f: {  	[spmem:s2] =	stream.indirect.scatter.add.f32 [tilespmem:s13], [sflag:$0x1], $0x10, s17, s14, $0xb8;
	[tilespmem:$0x56E0] =	vst v63  }
0x20: {  	s16 =	sadd.s32 $0x1A0, s16;
	_ =	sdelay $0x1  }
0x21: {  	_ =	swait.ge [sflag:s10], $0x640  }
0x22: {  	[sflag:s10] =	ssyncset.done $0x0;
	s15 =	sadd.s32 $0x1, s15  }
0x23: {  	[sflag:s10] =	ssyncadd.s32 $0xFFFFF9C0;
	p0 =	sne.s32 s15, s8  }
.Ltmp1:
0x24: {  	[bflag:$0x0] =	sbarrier.arrive $0xFFFF;
	(pc) =	sbr.rel @p0 .LBB2_1-.Ltmp1, $4  }
0x25: {  	[hbm:s7], [sflag:s11] =	dma.local [spmem:s12], $0x500  }
0x26: {  	_ =	swait.ge [sflag:s10], $0x500  }
0x27: {  	[sflag:s10] =	ssyncset.done $0x0  }
0x28: {  	[sflag:s10] =	ssyncadd.s32 $0xFFFFFB00  }
0x29: {  	_ =	sfence.sel $0x180000  }
0x2a: {  	[bflag:$0x0] =	sbarrier.arrive $0xFFFF  }
0x2b: {  	p0 =	sne.s32 s0, $0x0;
	_ =	strace $0x90000047  }
0x2c: {  	s0 =	sadd.s32 @!p0 $0x100000, s1;
	[bflag:$0x2] =	sbarrier.arrive $0xFFFF  }
0x2d: {  	[sflag:s0] =	ssyncadd.tile.s32 @!p0 $0x1;
	_ =	shalt  }
.Lfunc_end2:
_tile_overlayer_lowered:
.L_overlay_start_2:
0x2e: {  	(tag) =	ssettag $0x2  }
0x2f: {  	s0 =	rddreg [dreg:$0x0];
	s2 =	stileid.u32  }
0x30: {  	s1 =	rddreg [dreg:$0x1];
	p0 =	sne.s32 s2, $0x0  }
0x31: {  	s3 =	rddreg [dreg:$0x2];
	[bflag:$0x3] =	sbarrier.arrive $0xFFFF;
	s2 =	simm.s32 @!p0 $0x1C01  }
0x32: {  	[timem:s3], [sflag:s2] =	dma.local @!p0 [hbm:s0], s1  }
0x33: {  	s0 =	simm.s32 @!p0 $0x1  }
0x34: {  	_ =	swait.ge @!p0 [sflag:s0], s1  }
0x35: {  	s1 =	ssub.s32 @!p0 $0x0, s1;
	[sflag:s0] =	ssyncset.done @!p0 $0x0  }
0x36: {  	[sflag:s0] =	ssyncadd.s32 @!p0 s1  }
0x37: {  	[bflag:$0x3] =	sbarrier.arrive $0xFFFF  }
0x38: {  	_ =	shalt  }

</sc_bundles>
